<compile_context>
chip_gen: v7x
topology: tpu7x:2x2x1
jax: 0.10.2.dev20260603
libtpu: 0.0.44.dev20260713+nightly
codegen_flags: <defaults>
</compile_context>

<pallas_src>
import functools

import jax
import jax.numpy as jnp
from jax import lax
from jax.experimental import pallas as pl
from jax.experimental.pallas import tpu as pltpu
from jax.experimental.pallas import tpu_sc as plsc

_N = 8192
_C = 768
_G = 2
_V = 320
_GV = _G * _V
_VD = 384
_BR = 1024
_NEG = -1e30


def _tc_body(x_ref, wt_ref, b_ref, u_ref, idx0_ref, idx1_ref, cp_ref, pp_ref,
             hist_ref, probs_ref):
    step = pl.program_id(0)
    l = jnp.dot(x_ref[0], wt_ref[...],
                preferred_element_type=jnp.float32) + b_ref[...]
    li = lax.broadcasted_iota(jnp.int32, (1, _GV), 1)
    m0 = li < _V

    max0 = jnp.max(jnp.where(m0, l, _NEG), axis=1, keepdims=True)
    max1 = jnp.max(jnp.where(m0, _NEG, l), axis=1, keepdims=True)
    mx = jnp.where(m0, max0, max1)
    e = jnp.exp(l - mx)
    s0 = jnp.sum(jnp.where(m0, e, 0.0), axis=1, keepdims=True)
    s1 = jnp.sum(jnp.where(m0, 0.0, e), axis=1, keepdims=True)
    rt0 = jnp.reshape(1.0 / s0, (_BR,))[None, :]
    rt1 = jnp.reshape(1.0 / s1, (_BR,))[None, :]
    psum = jnp.where(m0,
                     jnp.dot(rt0, e, preferred_element_type=jnp.float32),
                     jnp.dot(rt1, e, preferred_element_type=jnp.float32))

    ismax = l == mx
    enc = jnp.where(ismax, _GV - li, 0)
    a0 = _GV - jnp.max(jnp.where(m0, enc, 0), axis=1, keepdims=True)
    a1 = _GV - jnp.max(jnp.where(m0, 0, enc), axis=1, keepdims=True)
    oh = ((li == a0) | (li == a1)).astype(jnp.float32)
    hsum = jnp.dot(jnp.ones((1, _BR), jnp.float32), oh,
                   preferred_element_type=jnp.float32)

    t = l - jnp.log(-jnp.log(u_ref[...]))
    t0 = jnp.max(jnp.where(m0, t, _NEG), axis=1, keepdims=True)
    t1 = jnp.max(jnp.where(m0, _NEG, t), axis=1, keepdims=True)
    tmx = jnp.where(m0, t0, t1)
    tenc = jnp.where(t == tmx, _GV - li, 0)
    i0 = _GV - jnp.max(jnp.where(m0, tenc, 0), axis=1, keepdims=True)
    i1 = _GV - jnp.max(jnp.where(m0, 0, tenc), axis=1, keepdims=True)
    idx0_ref[...] = i0.reshape(_BR)
    idx1_ref[...] = i1.reshape(_BR)

    @pl.when(step == 0)
    def _():
        hist_ref[...] = hsum
        probs_ref[...] = psum

    @pl.when(step > 0)
    def _():
        hist_ref[...] += hsum
        probs_ref[...] += psum

    @pl.when(step == pl.num_programs(0) - 1)
    def _():
        n = jnp.float32(_N)
        hp = hist_ref[...] / n
        th = hp * jnp.log(hp + 1e-7)
        cp = (jnp.exp(-jnp.sum(jnp.where(m0, th, 0.0)))
              + jnp.exp(-jnp.sum(jnp.where(m0, 0.0, th))))
        cp_ref[...] = jnp.reshape(cp, (1, 1))
        ap = probs_ref[...] / n
        tp = ap * jnp.log(ap + 1e-7)
        pp = (jnp.exp(-jnp.sum(jnp.where(m0, tp, 0.0)))
              + jnp.exp(-jnp.sum(jnp.where(m0, 0.0, tp))))
        pp_ref[...] = jnp.reshape(pp, (1, 1))


def _tc_stage(x3, wt, b2, u2):
    tpb = x3.shape[1] // _BR
    return pl.pallas_call(
        _tc_body,
        grid=(_N // _BR,),
        in_specs=[
            pl.BlockSpec((1, _BR, _C), lambda i: (i // tpb, i % tpb, 0)),
            pl.BlockSpec((_C, _GV), lambda i: (0, 0)),
            pl.BlockSpec((1, _GV), lambda i: (0, 0)),
            pl.BlockSpec((_BR, _GV), lambda i: (i, 0)),
        ],
        out_specs=[
            pl.BlockSpec((_BR,), lambda i: (i,)),
            pl.BlockSpec((_BR,), lambda i: (i,)),
            pl.BlockSpec((1, 1), lambda i: (0, 0)),
            pl.BlockSpec((1, 1), lambda i: (0, 0)),
        ],
        out_shape=[
            jax.ShapeDtypeStruct((_N,), jnp.int32),
            jax.ShapeDtypeStruct((_N,), jnp.int32),
            jax.ShapeDtypeStruct((1, 1), jnp.float32),
            jax.ShapeDtypeStruct((1, 1), jnp.float32),
        ],
        scratch_shapes=[
            pltpu.VMEM((1, _GV), jnp.float32),
            pltpu.VMEM((1, _GV), jnp.float32),
        ],
    )(x3, wt, b2, u2)


_CHUNK = 128


def _make_sc_gather():
    info = plsc.get_sparse_core_info()
    nw = info.num_cores * info.num_subcores
    per_w = _N // nw
    nchunk = per_w // _CHUNK
    mesh = plsc.VectorSubcoreMesh(core_axis_name="c", subcore_axis_name="s")

    @functools.partial(
        pl.kernel,
        mesh=mesh,
        out_type=jax.ShapeDtypeStruct((_N, _G * _VD), jnp.float32),
        scratch_types=[
            pltpu.VMEM((_CHUNK,), jnp.int32),
            pltpu.VMEM((_CHUNK,), jnp.int32),
            pltpu.VMEM((_CHUNK, _VD), jnp.float32),
            pltpu.VMEM((_CHUNK, _VD), jnp.float32),
            pltpu.SemaphoreType.DMA,
            pltpu.SemaphoreType.DMA,
            pltpu.SemaphoreType.DMA,
            pltpu.SemaphoreType.DMA,
        ],
    )
    def sc_gather(table_hbm, idx0_hbm, idx1_hbm, out_hbm,
                  ia_v, ib_v, ra_v, rb_v, gsa, gsb, wsa, wsb):
        wid = lax.axis_index("s") * info.num_cores + lax.axis_index("c")
        base = wid * per_w
        ops = [(base + j * _CHUNK, g)
               for j in range(nchunk) for g in range(_G)]
        idxs = (idx0_hbm, idx1_hbm)
        idx_v = (ia_v, ib_v)
        rows_v = (ra_v, rb_v)
        gsem = (gsa, gsb)
        wsem = (wsa, wsb)

        def start_gather(k):
            off, g = ops[k]
            p = k % 2
            pltpu.sync_copy(idxs[g].at[pl.ds(off, _CHUNK)], idx_v[p])
            return pltpu.async_copy(table_hbm.at[idx_v[p]], rows_v[p],
                                    gsem[p])

        gh = [start_gather(0), start_gather(1)]
        wh = [None, None]
        for k in range(len(ops)):
            off, g = ops[k]
            p = k % 2
            gh[p].wait()
            wh[p] = pltpu.async_copy(
                rows_v[p],
                out_hbm.at[pl.ds(off, _CHUNK), pl.ds(g * _VD, _VD)],
                wsem[p])
            if k + 2 < len(ops):
                wh[p].wait()
                gh[p] = start_gather(k + 2)
        wh[0].wait()
        wh[1].wait()

    return sc_gather


def kernel(x, W, b, vars_, u):
    bsz, tsz, fsz = x.shape
    wt = W.T
    b2 = b.reshape(1, _GV)
    u2 = u.reshape(_N, _GV)
    idx0, idx1, cp, pp = _tc_stage(x, wt, b2, u2)
    table = vars_.reshape(_GV, _VD)
    outf = _make_sc_gather()(table, idx0, idx1)
    out = outf.reshape(bsz, tsz, _G * _VD)
    return out, cp[0, 0], pp[0, 0]

# --- scband reference (transcript-rebuilt; emitter-appended) ---
"""Pipeline reference for scband-gumbel-vector-quantizer-61761629716883 (READ-ONLY COPY).

The authoritative reference and input builder live on the scoring server;
editing this copy changes nothing except your own understanding.
"""

import jax, jax.numpy as jnp
import numpy as np

B, T, C = 4, 2048, 768
G, V = 2, 320
VQ = 768
VD = VQ // G
TAU = 2.0


def setup_inputs(seed: int = 0) -> dict:
    key = jax.random.key(seed)
    k1, k2, k3, k4 = jax.random.split(key, 4)
    x = jax.random.normal(k1, (B, T, C), dtype=jnp.float32)
    # weight_proj: nn.Linear(dim, groups*num_codewords), weight ~ N(0,1), bias zeros
    W = jax.random.normal(k2, (G * V, C), dtype=jnp.float32)
    b = jnp.zeros((G * V,), dtype=jnp.float32)
    # self.vars: [1, groups*num_codewords, var_dim], uniform init (std=0 branch)
    vars_ = jax.random.uniform(k3, (1, G * V, VD), dtype=jnp.float32)
    # uniform noise for deterministic gumbel sampling (training-mode gumbel_softmax)
    u = jax.random.uniform(k4, (B * T * G, V), dtype=jnp.float32, minval=1e-6, maxval=1.0 - 1e-6)
    return {"x": x, "W": W, "b": b, "vars_": vars_, "u": u}


def reference(x, W, b, vars_, u):
    bsz, tsz, fsz = x.shape
    xf = x.reshape(-1, fsz)
    logits = xf @ W.T + b  # [B*T, G*V]
    logits = logits.reshape(bsz * tsz * G, V)
    # hard codes (no-grad branch in torch)
    k = jnp.argmax(logits, axis=-1)
    hard_x = jax.nn.one_hot(k, V, dtype=logits.dtype).reshape(bsz * tsz, G, V)
    hard_probs = jnp.mean(hard_x.astype(jnp.float32), axis=0)
    code_perplexity = jnp.exp(-jnp.sum(hard_probs * jnp.log(hard_probs + 1e-7), axis=-1)).sum()
    avg_probs = jax.nn.softmax(logits.reshape(bsz * tsz, G, V).astype(jnp.float32), axis=-1).mean(axis=0)
    prob_perplexity = jnp.exp(-jnp.sum(avg_probs * jnp.log(avg_probs + 1e-7), axis=-1)).sum()
    # training path: F.gumbel_softmax(logits, tau=curr_temp, hard=True)
    gumbel = -jnp.log(-jnp.log(u))
    y_soft = jax.nn.softmax((logits + gumbel) / TAU, axis=-1)
    idx = jnp.argmax(y_soft, axis=-1)
    y_hard = jax.nn.one_hot(idx, V, dtype=y_soft.dtype)
    q = y_hard - jax.lax.stop_gradient(y_soft) + y_soft  # straight-through
    q = q.reshape(bsz * tsz, G * V)
    out = (q[:, :, None] * vars_).reshape(bsz * tsz, G, V, VD)
    out = out.sum(axis=-2)
    out = out.reshape(bsz, tsz, -1)
    return out, code_perplexity, prob_perplexity

if __name__ == "__main__":
    import jax
    _d = setup_inputs()
    print(jax.jit(kernel)(*tuple(_d.values())))

</pallas_src>

<mosaic_0001>
#map = affine_map<(d0, d1) -> (0, 0)>
#map1 = affine_map<(d0, d1) -> (0)>
module attributes {stable_mosaic.version = 14 : i64} {
  func.func @sc_gather(%arg0: i32, %arg1: i32, %arg2: memref<640x384xf32, #tpu.memory_space<hbm>>, %arg3: memref<8192xi32, #tpu.memory_space<hbm>>, %arg4: memref<8192xi32, #tpu.memory_space<hbm>>, %arg5: memref<8192x768xf32, #tpu.memory_space<hbm>>, %arg6: memref<128xi32, #tpu.memory_space<vmem>>, %arg7: memref<128xi32, #tpu.memory_space<vmem>>, %arg8: memref<128x384xf32, #tpu.memory_space<vmem>>, %arg9: memref<128x384xf32, #tpu.memory_space<vmem>>, %arg10: memref<!tpu.dma_semaphore, #tpu.memory_space<semaphore_mem>>, %arg11: memref<!tpu.dma_semaphore, #tpu.memory_space<semaphore_mem>>, %arg12: memref<!tpu.dma_semaphore, #tpu.memory_space<semaphore_mem>>, %arg13: memref<!tpu.dma_semaphore, #tpu.memory_space<semaphore_mem>>) attributes {dimension_semantics = [#tpu.dimension_semantics<core_parallel>, #tpu.dimension_semantics<subcore_parallel>], iteration_bounds = array<i64: 2, 16>, scalar_prefetch = 0 : i64, scratch_operands = 8 : i64, tpu.core_type = #tpu.core_type<sc_vector_subcore>, window_params = [{transform_indices = #map}, {transform_indices = #map1}, {transform_indices = #map1}, {transform_indices = #map}]} {
    %mul3A = arith.constant 2 : i32
    %mul3A_0 = arith.muli %arg1, %mul3A : i32
    %add3A = arith.addi %mul3A_0, %arg0 : i32
    %mul3A_1 = arith.constant 256 : i32
    %mul3A_2 = arith.muli %add3A, %mul3A_1 : i32
    %add3A_3 = arith.constant 0 : i32
    %add3A_4 = arith.addi %mul3A_2, %add3A_3 : i32
    %add3A_5 = arith.constant 0 : i32
    %add3A_6 = arith.addi %mul3A_2, %add3A_5 : i32
    %add3A_7 = arith.constant 128 : i32
    %add3A_8 = arith.addi %mul3A_2, %add3A_7 : i32
    %add3A_9 = arith.constant 128 : i32
    %add3A_10 = arith.addi %mul3A_2, %add3A_9 : i32
    "tpu.region"() ({
      %run_scoped3A = tpu.sem_alloc : memref<!tpu.dma_semaphore, #tpu.memory_space<semaphore_mem>>
      %dma_start3A_65 = tpu.memref_slice %arg3[%add3A_4] : memref<8192xi32, #tpu.memory_space<hbm>> -> memref<128xi32, #tpu.memory_space<hbm>>
      %dma_start3A_66 = tpu.memref_slice %arg3[%add3A_4] : memref<8192xi32, #tpu.memory_space<hbm>> -> memref<128xi32, #tpu.memory_space<hbm>>
      tpu.enqueue_dma source(%dma_start3A_66 : memref<128xi32, #tpu.memory_space<hbm>>) target(%arg6 : memref<128xi32, #tpu.memory_space<vmem>>) target_semaphore(%run_scoped3A : memref<!tpu.dma_semaphore, #tpu.memory_space<semaphore_mem>>)
      %dma_wait3A_67 = tpu.memref_slice %arg3[%add3A_4] : memref<8192xi32, #tpu.memory_space<hbm>> -> memref<128xi32, #tpu.memory_space<hbm>>
      %dma_wait3A_68 = tpu.memref_slice %arg3[%add3A_4] : memref<8192xi32, #tpu.memory_space<hbm>> -> memref<128xi32, #tpu.memory_space<hbm>>
      tpu.wait_dma2 semaphore(%run_scoped3A : memref<!tpu.dma_semaphore, #tpu.memory_space<semaphore_mem>>) src(%dma_wait3A_68 : memref<128xi32, #tpu.memory_space<hbm>>) dst(%arg6 : memref<128xi32, #tpu.memory_space<vmem>>)
      tpu.yield
    }) : () -> ()
    %dma_start3A = arith.constant 0 : i32
    %dma_start3A_11 = arith.constant 0 : i32
    %dma_start3A_12 = tpu.memref_slice %arg2[%dma_start3A, %dma_start3A_11] : memref<640x384xf32, #tpu.memory_space<hbm>> -> memref<640x384xf32, #tpu.memory_space<hbm>>
    tpu.enqueue_indirect_dma source(%dma_start3A_12 : memref<640x384xf32, #tpu.memory_space<hbm>>) target(%arg8 : memref<128x384xf32, #tpu.memory_space<vmem>>) offsets(%arg6 : memref<128xi32, #tpu.memory_space<vmem>>) semaphore(%arg10 : memref<!tpu.dma_semaphore, #tpu.memory_space<semaphore_mem>>)
    "tpu.region"() ({
      %run_scoped3A = tpu.sem_alloc : memref<!tpu.dma_semaphore, #tpu.memory_space<semaphore_mem>>
      %dma_start3A_65 = tpu.memref_slice %arg4[%add3A_6] : memref<8192xi32, #tpu.memory_space<hbm>> -> memref<128xi32, #tpu.memory_space<hbm>>
      %dma_start3A_66 = tpu.memref_slice %arg4[%add3A_6] : memref<8192xi32, #tpu.memory_space<hbm>> -> memref<128xi32, #tpu.memory_space<hbm>>
      tpu.enqueue_dma source(%dma_start3A_66 : memref<128xi32, #tpu.memory_space<hbm>>) target(%arg7 : memref<128xi32, #tpu.memory_space<vmem>>) target_semaphore(%run_scoped3A : memref<!tpu.dma_semaphore, #tpu.memory_space<semaphore_mem>>)
      %dma_wait3A_67 = tpu.memref_slice %arg4[%add3A_6] : memref<8192xi32, #tpu.memory_space<hbm>> -> memref<128xi32, #tpu.memory_space<hbm>>
      %dma_wait3A_68 = tpu.memref_slice %arg4[%add3A_6] : memref<8192xi32, #tpu.memory_space<hbm>> -> memref<128xi32, #tpu.memory_space<hbm>>
      tpu.wait_dma2 semaphore(%run_scoped3A : memref<!tpu.dma_semaphore, #tpu.memory_space<semaphore_mem>>) src(%dma_wait3A_68 : memref<128xi32, #tpu.memory_space<hbm>>) dst(%arg7 : memref<128xi32, #tpu.memory_space<vmem>>)
      tpu.yield
    }) : () -> ()
    %dma_start3A_13 = arith.constant 0 : i32
    %dma_start3A_14 = arith.constant 0 : i32
    %dma_start3A_15 = tpu.memref_slice %arg2[%dma_start3A_13, %dma_start3A_14] : memref<640x384xf32, #tpu.memory_space<hbm>> -> memref<640x384xf32, #tpu.memory_space<hbm>>
    tpu.enqueue_indirect_dma source(%dma_start3A_15 : memref<640x384xf32, #tpu.memory_space<hbm>>) target(%arg9 : memref<128x384xf32, #tpu.memory_space<vmem>>) offsets(%arg7 : memref<128xi32, #tpu.memory_space<vmem>>) semaphore(%arg11 : memref<!tpu.dma_semaphore, #tpu.memory_space<semaphore_mem>>)
    %dma_wait3A = arith.constant 0 : i32
    %dma_wait3A_16 = arith.constant 0 : i32
    %dma_wait3A_17 = tpu.memref_slice %arg2[%dma_wait3A, %dma_wait3A_16] : memref<640x384xf32, #tpu.memory_space<hbm>> -> memref<640x384xf32, #tpu.memory_space<hbm>>
    tpu.wait_indirect_dma semaphore(%arg10 : memref<!tpu.dma_semaphore, #tpu.memory_space<semaphore_mem>>) src(%dma_wait3A_17 : memref<640x384xf32, #tpu.memory_space<hbm>>) dst(%arg8 : memref<128x384xf32, #tpu.memory_space<vmem>>)
    %dma_start3A_18 = arith.constant 0 : i32
    %dma_start3A_19 = tpu.memref_slice %arg5[%add3A_4, %dma_start3A_18] : memref<8192x768xf32, #tpu.memory_space<hbm>> -> memref<128x384xf32, #tpu.memory_space<hbm>>
    %dma_start3A_20 = arith.constant 0 : i32
    %dma_start3A_21 = tpu.memref_slice %arg5[%add3A_4, %dma_start3A_20] : memref<8192x768xf32, #tpu.memory_space<hbm>> -> memref<128x384xf32, #tpu.memory_space<hbm>>
    tpu.enqueue_dma source(%arg8 : memref<128x384xf32, #tpu.memory_space<vmem>>) target(%dma_start3A_21 : memref<128x384xf32, #tpu.memory_space<hbm>>) target_semaphore(%arg12 : memref<!tpu.dma_semaphore, #tpu.memory_space<semaphore_mem>>)
    %dma_wait3A_22 = arith.constant 0 : i32
    %dma_wait3A_23 = tpu.memref_slice %arg5[%add3A_4, %dma_wait3A_22] : memref<8192x768xf32, #tpu.memory_space<hbm>> -> memref<128x384xf32, #tpu.memory_space<hbm>>
    %dma_wait3A_24 = arith.constant 0 : i32
    %dma_wait3A_25 = tpu.memref_slice %arg5[%add3A_4, %dma_wait3A_24] : memref<8192x768xf32, #tpu.memory_space<hbm>> -> memref<128x384xf32, #tpu.memory_space<hbm>>
    tpu.wait_dma2 semaphore(%arg12 : memref<!tpu.dma_semaphore, #tpu.memory_space<semaphore_mem>>) src(%arg8 : memref<128x384xf32, #tpu.memory_space<vmem>>) dst(%dma_wait3A_25 : memref<128x384xf32, #tpu.memory_space<hbm>>)
    "tpu.region"() ({
      %run_scoped3A = tpu.sem_alloc : memref<!tpu.dma_semaphore, #tpu.memory_space<semaphore_mem>>
      %dma_start3A_65 = tpu.memref_slice %arg3[%add3A_8] : memref<8192xi32, #tpu.memory_space<hbm>> -> memref<128xi32, #tpu.memory_space<hbm>>
      %dma_start3A_66 = tpu.memref_slice %arg3[%add3A_8] : memref<8192xi32, #tpu.memory_space<hbm>> -> memref<128xi32, #tpu.memory_space<hbm>>
      tpu.enqueue_dma source(%dma_start3A_66 : memref<128xi32, #tpu.memory_space<hbm>>) target(%arg6 : memref<128xi32, #tpu.memory_space<vmem>>) target_semaphore(%run_scoped3A : memref<!tpu.dma_semaphore, #tpu.memory_space<semaphore_mem>>)
      %dma_wait3A_67 = tpu.memref_slice %arg3[%add3A_8] : memref<8192xi32, #tpu.memory_space<hbm>> -> memref<128xi32, #tpu.memory_space<hbm>>
      %dma_wait3A_68 = tpu.memref_slice %arg3[%add3A_8] : memref<8192xi32, #tpu.memory_space<hbm>> -> memref<128xi32, #tpu.memory_space<hbm>>
      tpu.wait_dma2 semaphore(%run_scoped3A : memref<!tpu.dma_semaphore, #tpu.memory_space<semaphore_mem>>) src(%dma_wait3A_68 : memref<128xi32, #tpu.memory_space<hbm>>) dst(%arg6 : memref<128xi32, #tpu.memory_space<vmem>>)
      tpu.yield
    }) : () -> ()
    %dma_start3A_26 = arith.constant 0 : i32
    %dma_start3A_27 = arith.constant 0 : i32
    %dma_start3A_28 = tpu.memref_slice %arg2[%dma_start3A_26, %dma_start3A_27] : memref<640x384xf32, #tpu.memory_space<hbm>> -> memref<640x384xf32, #tpu.memory_space<hbm>>
    tpu.enqueue_indirect_dma source(%dma_start3A_28 : memref<640x384xf32, #tpu.memory_space<hbm>>) target(%arg8 : memref<128x384xf32, #tpu.memory_space<vmem>>) offsets(%arg6 : memref<128xi32, #tpu.memory_space<vmem>>) semaphore(%arg10 : memref<!tpu.dma_semaphore, #tpu.memory_space<semaphore_mem>>)
    %dma_wait3A_29 = arith.constant 0 : i32
    %dma_wait3A_30 = arith.constant 0 : i32
    %dma_wait3A_31 = tpu.memref_slice %arg2[%dma_wait3A_29, %dma_wait3A_30] : memref<640x384xf32, #tpu.memory_space<hbm>> -> memref<640x384xf32, #tpu.memory_space<hbm>>
    tpu.wait_indirect_dma semaphore(%arg11 : memref<!tpu.dma_semaphore, #tpu.memory_space<semaphore_mem>>) src(%dma_wait3A_31 : memref<640x384xf32, #tpu.memory_space<hbm>>) dst(%arg9 : memref<128x384xf32, #tpu.memory_space<vmem>>)
    %dma_start3A_32 = arith.constant 384 : i32
    %dma_start3A_33 = tpu.memref_slice %arg5[%add3A_6, %dma_start3A_32] : memref<8192x768xf32, #tpu.memory_space<hbm>> -> memref<128x384xf32, #tpu.memory_space<hbm>>
    %dma_start3A_34 = arith.constant 384 : i32
    %dma_start3A_35 = tpu.memref_slice %arg5[%add3A_6, %dma_start3A_34] : memref<8192x768xf32, #tpu.memory_space<hbm>> -> memref<128x384xf32, #tpu.memory_space<hbm>>
    tpu.enqueue_dma source(%arg9 : memref<128x384xf32, #tpu.memory_space<vmem>>) target(%dma_start3A_35 : memref<128x384xf32, #tpu.memory_space<hbm>>) target_semaphore(%arg13 : memref<!tpu.dma_semaphore, #tpu.memory_space<semaphore_mem>>)
    %dma_wait3A_36 = arith.constant 384 : i32
    %dma_wait3A_37 = tpu.memref_slice %arg5[%add3A_6, %dma_wait3A_36] : memref<8192x768xf32, #tpu.memory_space<hbm>> -> memref<128x384xf32, #tpu.memory_space<hbm>>
    %dma_wait3A_38 = arith.constant 384 : i32
    %dma_wait3A_39 = tpu.memref_slice %arg5[%add3A_6, %dma_wait3A_38] : memref<8192x768xf32, #tpu.memory_space<hbm>> -> memref<128x384xf32, #tpu.memory_space<hbm>>
    tpu.wait_dma2 semaphore(%arg13 : memref<!tpu.dma_semaphore, #tpu.memory_space<semaphore_mem>>) src(%arg9 : memref<128x384xf32, #tpu.memory_space<vmem>>) dst(%dma_wait3A_39 : memref<128x384xf32, #tpu.memory_space<hbm>>)
    "tpu.region"() ({
      %run_scoped3A = tpu.sem_alloc : memref<!tpu.dma_semaphore, #tpu.memory_space<semaphore_mem>>
      %dma_start3A_65 = tpu.memref_slice %arg4[%add3A_10] : memref<8192xi32, #tpu.memory_space<hbm>> -> memref<128xi32, #tpu.memory_space<hbm>>
      %dma_start3A_66 = tpu.memref_slice %arg4[%add3A_10] : memref<8192xi32, #tpu.memory_space<hbm>> -> memref<128xi32, #tpu.memory_space<hbm>>
      tpu.enqueue_dma source(%dma_start3A_66 : memref<128xi32, #tpu.memory_space<hbm>>) target(%arg7 : memref<128xi32, #tpu.memory_space<vmem>>) target_semaphore(%run_scoped3A : memref<!tpu.dma_semaphore, #tpu.memory_space<semaphore_mem>>)
      %dma_wait3A_67 = tpu.memref_slice %arg4[%add3A_10] : memref<8192xi32, #tpu.memory_space<hbm>> -> memref<128xi32, #tpu.memory_space<hbm>>
      %dma_wait3A_68 = tpu.memref_slice %arg4[%add3A_10] : memref<8192xi32, #tpu.memory_space<hbm>> -> memref<128xi32, #tpu.memory_space<hbm>>
      tpu.wait_dma2 semaphore(%run_scoped3A : memref<!tpu.dma_semaphore, #tpu.memory_space<semaphore_mem>>) src(%dma_wait3A_68 : memref<128xi32, #tpu.memory_space<hbm>>) dst(%arg7 : memref<128xi32, #tpu.memory_space<vmem>>)
      tpu.yield
    }) : () -> ()
    %dma_start3A_40 = arith.constant 0 : i32
    %dma_start3A_41 = arith.constant 0 : i32
    %dma_start3A_42 = tpu.memref_slice %arg2[%dma_start3A_40, %dma_start3A_41] : memref<640x384xf32, #tpu.memory_space<hbm>> -> memref<640x384xf32, #tpu.memory_space<hbm>>
    tpu.enqueue_indirect_dma source(%dma_start3A_42 : memref<640x384xf32, #tpu.memory_space<hbm>>) target(%arg9 : memref<128x384xf32, #tpu.memory_space<vmem>>) offsets(%arg7 : memref<128xi32, #tpu.memory_space<vmem>>) semaphore(%arg11 : memref<!tpu.dma_semaphore, #tpu.memory_space<semaphore_mem>>)
    %dma_wait3A_43 = arith.constant 0 : i32
    %dma_wait3A_44 = arith.constant 0 : i32
    %dma_wait3A_45 = tpu.memref_slice %arg2[%dma_wait3A_43, %dma_wait3A_44] : memref<640x384xf32, #tpu.memory_space<hbm>> -> memref<640x384xf32, #tpu.memory_space<hbm>>
    tpu.wait_indirect_dma semaphore(%arg10 : memref<!tpu.dma_semaphore, #tpu.memory_space<semaphore_mem>>) src(%dma_wait3A_45 : memref<640x384xf32, #tpu.memory_space<hbm>>) dst(%arg8 : memref<128x384xf32, #tpu.memory_space<vmem>>)
    %dma_start3A_46 = arith.constant 0 : i32
    %dma_start3A_47 = tpu.memref_slice %arg5[%add3A_8, %dma_start3A_46] : memref<8192x768xf32, #tpu.memory_space<hbm>> -> memref<128x384xf32, #tpu.memory_space<hbm>>
    %dma_start3A_48 = arith.constant 0 : i32
    %dma_start3A_49 = tpu.memref_slice %arg5[%add3A_8, %dma_start3A_48] : memref<8192x768xf32, #tpu.memory_space<hbm>> -> memref<128x384xf32, #tpu.memory_space<hbm>>
    tpu.enqueue_dma source(%arg8 : memref<128x384xf32, #tpu.memory_space<vmem>>) target(%dma_start3A_49 : memref<128x384xf32, #tpu.memory_space<hbm>>) target_semaphore(%arg12 : memref<!tpu.dma_semaphore, #tpu.memory_space<semaphore_mem>>)
    %dma_wait3A_50 = arith.constant 0 : i32
    %dma_wait3A_51 = arith.constant 0 : i32
    %dma_wait3A_52 = tpu.memref_slice %arg2[%dma_wait3A_50, %dma_wait3A_51] : memref<640x384xf32, #tpu.memory_space<hbm>> -> memref<640x384xf32, #tpu.memory_space<hbm>>
    tpu.wait_indirect_dma semaphore(%arg11 : memref<!tpu.dma_semaphore, #tpu.memory_space<semaphore_mem>>) src(%dma_wait3A_52 : memref<640x384xf32, #tpu.memory_space<hbm>>) dst(%arg9 : memref<128x384xf32, #tpu.memory_space<vmem>>)
    %dma_start3A_53 = arith.constant 384 : i32
    %dma_start3A_54 = tpu.memref_slice %arg5[%add3A_10, %dma_start3A_53] : memref<8192x768xf32, #tpu.memory_space<hbm>> -> memref<128x384xf32, #tpu.memory_space<hbm>>
    %dma_start3A_55 = arith.constant 384 : i32
    %dma_start3A_56 = tpu.memref_slice %arg5[%add3A_10, %dma_start3A_55] : memref<8192x768xf32, #tpu.memory_space<hbm>> -> memref<128x384xf32, #tpu.memory_space<hbm>>
    tpu.enqueue_dma source(%arg9 : memref<128x384xf32, #tpu.memory_space<vmem>>) target(%dma_start3A_56 : memref<128x384xf32, #tpu.memory_space<hbm>>) target_semaphore(%arg13 : memref<!tpu.dma_semaphore, #tpu.memory_space<semaphore_mem>>)
    %dma_wait3A_57 = arith.constant 0 : i32
    %dma_wait3A_58 = tpu.memref_slice %arg5[%add3A_8, %dma_wait3A_57] : memref<8192x768xf32, #tpu.memory_space<hbm>> -> memref<128x384xf32, #tpu.memory_space<hbm>>
    %dma_wait3A_59 = arith.constant 0 : i32
    %dma_wait3A_60 = tpu.memref_slice %arg5[%add3A_8, %dma_wait3A_59] : memref<8192x768xf32, #tpu.memory_space<hbm>> -> memref<128x384xf32, #tpu.memory_space<hbm>>
    tpu.wait_dma2 semaphore(%arg12 : memref<!tpu.dma_semaphore, #tpu.memory_space<semaphore_mem>>) src(%arg8 : memref<128x384xf32, #tpu.memory_space<vmem>>) dst(%dma_wait3A_60 : memref<128x384xf32, #tpu.memory_space<hbm>>)
    %dma_wait3A_61 = arith.constant 384 : i32
    %dma_wait3A_62 = tpu.memref_slice %arg5[%add3A_10, %dma_wait3A_61] : memref<8192x768xf32, #tpu.memory_space<hbm>> -> memref<128x384xf32, #tpu.memory_space<hbm>>
    %dma_wait3A_63 = arith.constant 384 : i32
    %dma_wait3A_64 = tpu.memref_slice %arg5[%add3A_10, %dma_wait3A_63] : memref<8192x768xf32, #tpu.memory_space<hbm>> -> memref<128x384xf32, #tpu.memory_space<hbm>>
    tpu.wait_dma2 semaphore(%arg13 : memref<!tpu.dma_semaphore, #tpu.memory_space<semaphore_mem>>) src(%arg9 : memref<128x384xf32, #tpu.memory_space<vmem>>) dst(%dma_wait3A_64 : memref<128x384xf32, #tpu.memory_space<hbm>>)
    return
  }
}

module attributes {stable_mosaic.version = 14 : i64} {
  func.func @_tc_body(%arg0: i32, %arg1: memref<1x1024x768xf32, #tpu.memory_space<vmem>>, %arg2: memref<768x640xf32, #tpu.memory_space<vmem>>, %arg3: memref<1x640xf32, #tpu.memory_space<vmem>>, %arg4: memref<1024x640xf32, #tpu.memory_space<vmem>>, %arg5: memref<1024xi32, #tpu.memory_space<vmem>>, %arg6: memref<1024xi32, #tpu.memory_space<vmem>>, %arg7: memref<1x1xf32, #tpu.memory_space<vmem>>, %arg8: memref<1x1xf32, #tpu.memory_space<vmem>>, %arg9: memref<1x640xf32, #tpu.memory_space<vmem>>, %arg10: memref<1x640xf32, #tpu.memory_space<vmem>>) attributes {dimension_semantics = [#tpu.dimension_semantics<arbitrary>], iteration_bounds = array<i64: 8>, scalar_prefetch = 0 : i64, scratch_operands = 2 : i64, tpu.core_type = #tpu.core_type<tc>, window_params = [{transform_indices = @transform_0, window_bounds = array<i64: 1, 1024, 768>}, {pipeline_mode = #tpu.pipeline_mode<synchronous>, transform_indices = @transform_1, window_bounds = array<i64: 768, 640>}, {pipeline_mode = #tpu.pipeline_mode<synchronous>, transform_indices = @transform_2, window_bounds = array<i64: 1, 640>}, {transform_indices = @transform_3, window_bounds = array<i64: 1024, 640>}, {transform_indices = @transform_4, window_bounds = array<i64: 1024>}, {transform_indices = @transform_5, window_bounds = array<i64: 1024>}, {pipeline_mode = #tpu.pipeline_mode<synchronous>, transform_indices = @transform_6, window_bounds = array<i64: 1, 1>}, {pipeline_mode = #tpu.pipeline_mode<synchronous>, transform_indices = @transform_7, window_bounds = array<i64: 1, 1>}]} {
    %get3A = arith.constant 0 : index
    %get3A_0 = arith.constant 0 : index
    %get3A_1 = arith.constant 0 : index
    %get3A_2 = vector.load %arg1[%get3A, %get3A_0, %get3A_1] : memref<1x1024x768xf32, #tpu.memory_space<vmem>>, vector<1x1024x768xf32>
    %get3A_3 = vector.shape_cast %get3A_2 : vector<1x1024x768xf32> to vector<1024x768xf32>
    %get3A_4 = arith.constant 0 : index
    %get3A_5 = arith.constant 0 : index
    %get3A_6 = vector.load %arg2[%get3A_4, %get3A_5] : memref<768x640xf32, #tpu.memory_space<vmem>>, vector<768x640xf32>
    %dot_general3A = arith.constant dense<0.000000e+00> : vector<1024x640xf32>
    %dot_general3A_7 = tpu.matmul %get3A_3, %get3A_6, %dot_general3A {dimension_numbers = #tpu.dot_dimension_numbers<[1], [0], [0], [1], [0, 0, 1, 1], [], []>, transpose_lhs_hint = false} : vector<1024x768xf32>, vector<768x640xf32>, vector<1024x640xf32> -> vector<1024x640xf32>
    %get3A_8 = arith.constant 0 : index
    %get3A_9 = arith.constant 0 : index
    %get3A_10 = vector.load %arg3[%get3A_8, %get3A_9] : memref<1x640xf32, #tpu.memory_space<vmem>>, vector<1x640xf32>
    %add3A = vector.broadcast %get3A_10 : vector<1x640xf32> to vector<1024x640xf32>
    %add3A_11 = arith.addf %dot_general3A_7, %add3A : vector<1024x640xf32>
    %iota3A = tpu.iota {dimensions = array<i32: 1>} : vector<1x640xi32>
    %lt3A = arith.constant 320 : i32
    %lt3A_12 = vector.broadcast %lt3A : i32 to vector<1x640xi32>
    %lt3A_13 = arith.cmpi slt, %iota3A, %lt3A_12 : vector<1x640xi32>
    %jit3A = arith.constant -1.000000e+30 : f32
    %broadcast_in_dim3A = vector.shape_cast %lt3A_13 : vector<1x640xi1> to vector<1x640xi1>
    %broadcast_in_dim3A_14 = vector.broadcast %broadcast_in_dim3A : vector<1x640xi1> to vector<1024x640xi1>
    %broadcast_in_dim3A_15 = vector.broadcast %jit3A : f32 to vector<1024x640xf32>
    %select_n3A = arith.select %broadcast_in_dim3A_14, %add3A_11, %broadcast_in_dim3A_15 : vector<1024x640xi1>, vector<1024x640xf32>
    %reduce_max3A = arith.constant dense<0xFF800000> : vector<1024xf32>
    %reduce_max3A_16 = vector.multi_reduction <maximumf>, %select_n3A, %reduce_max3A [1] : vector<1024x640xf32> to vector<1024xf32>
    %broadcast_in_dim3A_17 = vector.shape_cast %reduce_max3A_16 : vector<1024xf32> to vector<1024x1xf32>
    %jit3A_18 = arith.constant -1.000000e+30 : f32
    %broadcast_in_dim3A_19 = vector.shape_cast %lt3A_13 : vector<1x640xi1> to vector<1x640xi1>
    %broadcast_in_dim3A_20 = vector.broadcast %broadcast_in_dim3A_19 : vector<1x640xi1> to vector<1024x640xi1>
    %broadcast_in_dim3A_21 = vector.broadcast %jit3A_18 : f32 to vector<1024x640xf32>
    %select_n3A_22 = arith.select %broadcast_in_dim3A_20, %broadcast_in_dim3A_21, %add3A_11 : vector<1024x640xi1>, vector<1024x640xf32>
    %reduce_max3A_23 = arith.constant dense<0xFF800000> : vector<1024xf32>
    %reduce_max3A_24 = vector.multi_reduction <maximumf>, %select_n3A_22, %reduce_max3A_23 [1] : vector<1024x640xf32> to vector<1024xf32>
    %broadcast_in_dim3A_25 = vector.shape_cast %reduce_max3A_24 : vector<1024xf32> to vector<1024x1xf32>
    %broadcast_in_dim3A_26 = vector.shape_cast %lt3A_13 : vector<1x640xi1> to vector<1x640xi1>
    %broadcast_in_dim3A_27 = vector.broadcast %broadcast_in_dim3A_26 : vector<1x640xi1> to vector<1024x640xi1>
    %broadcast_in_dim3A_28 = vector.shape_cast %broadcast_in_dim3A_17 : vector<1024x1xf32> to vector<1024x1xf32>
    %broadcast_in_dim3A_29 = vector.broadcast %broadcast_in_dim3A_28 : vector<1024x1xf32> to vector<1024x640xf32>
    %broadcast_in_dim3A_30 = vector.shape_cast %broadcast_in_dim3A_25 : vector<1024x1xf32> to vector<1024x1xf32>
    %broadcast_in_dim3A_31 = vector.broadcast %broadcast_in_dim3A_30 : vector<1024x1xf32> to vector<1024x640xf32>
    %select_n3A_32 = arith.select %broadcast_in_dim3A_27, %broadcast_in_dim3A_29, %broadcast_in_dim3A_31 : vector<1024x640xi1>, vector<1024x640xf32>
    %sub3A = arith.subf %add3A_11, %select_n3A_32 : vector<1024x640xf32>
    %exp3A = math.exp %sub3A : vector<1024x640xf32>
    %jit3A_33 = arith.constant 0.000000e+00 : f32
    %broadcast_in_dim3A_34 = vector.shape_cast %lt3A_13 : vector<1x640xi1> to vector<1x640xi1>
    %broadcast_in_dim3A_35 = vector.broadcast %broadcast_in_dim3A_34 : vector<1x640xi1> to vector<1024x640xi1>
    %broadcast_in_dim3A_36 = vector.broadcast %jit3A_33 : f32 to vector<1024x640xf32>
    %select_n3A_37 = arith.select %broadcast_in_dim3A_35, %exp3A, %broadcast_in_dim3A_36 : vector<1024x640xi1>, vector<1024x640xf32>
    %reduce_sum3A = arith.constant dense<0.000000e+00> : vector<1024xf32>
    %reduce_sum3A_38 = vector.multi_reduction <add>, %select_n3A_37, %reduce_sum3A [1] : vector<1024x640xf32> to vector<1024xf32>
    %broadcast_in_dim3A_39 = vector.shape_cast %reduce_sum3A_38 : vector<1024xf32> to vector<1024x1xf32>
    %jit3A_40 = arith.constant 0.000000e+00 : f32
    %broadcast_in_dim3A_41 = vector.shape_cast %lt3A_13 : vector<1x640xi1> to vector<1x640xi1>
    %broadcast_in_dim3A_42 = vector.broadcast %broadcast_in_dim3A_41 : vector<1x640xi1> to vector<1024x640xi1>
    %broadcast_in_dim3A_43 = vector.broadcast %jit3A_40 : f32 to vector<1024x640xf32>
    %select_n3A_44 = arith.select %broadcast_in_dim3A_42, %broadcast_in_dim3A_43, %exp3A : vector<1024x640xi1>, vector<1024x640xf32>
    %reduce_sum3A_45 = arith.constant dense<0.000000e+00> : vector<1024xf32>
    %reduce_sum3A_46 = vector.multi_reduction <add>, %select_n3A_44, %reduce_sum3A_45 [1] : vector<1024x640xf32> to vector<1024xf32>
    %broadcast_in_dim3A_47 = vector.shape_cast %reduce_sum3A_46 : vector<1024xf32> to vector<1024x1xf32>
    %div3A = arith.constant 1.000000e+00 : f32
    %div3A_48 = vector.broadcast %div3A : f32 to vector<1024x1xf32>
    %div3A_49 = arith.divf %div3A_48, %broadcast_in_dim3A_39 : vector<1024x1xf32>
    %reshape3A = vector.shape_cast %div3A_49 : vector<1024x1xf32> to vector<1024xf32>
    %broadcast_in_dim3A_50 = vector.shape_cast %reshape3A : vector<1024xf32> to vector<1x1024xf32>
    %div3A_51 = arith.constant 1.000000e+00 : f32
    %div3A_52 = vector.broadcast %div3A_51 : f32 to vector<1024x1xf32>
    %div3A_53 = arith.divf %div3A_52, %broadcast_in_dim3A_47 : vector<1024x1xf32>
    %reshape3A_54 = vector.shape_cast %div3A_53 : vector<1024x1xf32> to vector<1024xf32>
    %broadcast_in_dim3A_55 = vector.shape_cast %reshape3A_54 : vector<1024xf32> to vector<1x1024xf32>
    %dot_general3A_56 = arith.constant dense<0.000000e+00> : vector<1x640xf32>
    %dot_general3A_57 = tpu.matmul %broadcast_in_dim3A_50, %exp3A, %dot_general3A_56 {dimension_numbers = #tpu.dot_dimension_numbers<[1], [0], [0], [1], [0, 0, 1, 1], [], []>, transpose_lhs_hint = false} : vector<1x1024xf32>, vector<1024x640xf32>, vector<1x640xf32> -> vector<1x640xf32>
    %dot_general3A_58 = arith.constant dense<0.000000e+00> : vector<1x640xf32>
    %dot_general3A_59 = tpu.matmul %broadcast_in_dim3A_55, %exp3A, %dot_general3A_58 {dimension_numbers = #tpu.dot_dimension_numbers<[1], [0], [0], [1], [0, 0, 1, 1], [], []>, transpose_lhs_hint = false} : vector<1x1024xf32>, vector<1024x640xf32>, vector<1x640xf32> -> vector<1x640xf32>
    %select_n3A_60 = arith.select %lt3A_13, %dot_general3A_57, %dot_general3A_59 : vector<1x640xi1>, vector<1x640xf32>
    %eq3A = arith.cmpf oeq, %add3A_11, %select_n3A_32 : vector<1024x640xf32>
    %sub3A_61 = arith.constant 640 : i32
    %sub3A_62 = vector.broadcast %sub3A_61 : i32 to vector<1x640xi32>
    %sub3A_63 = arith.subi %sub3A_62, %iota3A : vector<1x640xi32>
    %jit3A_64 = arith.constant 0 : i32
    %broadcast_in_dim3A_65 = vector.shape_cast %sub3A_63 : vector<1x640xi32> to vector<1x640xi32>
    %broadcast_in_dim3A_66 = vector.broadcast %broadcast_in_dim3A_65 : vector<1x640xi32> to vector<1024x640xi32>
    %broadcast_in_dim3A_67 = vector.broadcast %jit3A_64 : i32 to vector<1024x640xi32>
    %select_n3A_68 = arith.select %eq3A, %broadcast_in_dim3A_66, %broadcast_in_dim3A_67 : vector<1024x640xi1>, vector<1024x640xi32>
    %jit3A_69 = arith.constant 0 : i32
    %broadcast_in_dim3A_70 = vector.shape_cast %lt3A_13 : vector<1x640xi1> to vector<1x640xi1>
    %broadcast_in_dim3A_71 = vector.broadcast %broadcast_in_dim3A_70 : vector<1x640xi1> to vector<1024x640xi1>
    %broadcast_in_dim3A_72 = vector.broadcast %jit3A_69 : i32 to vector<1024x640xi32>
    %select_n3A_73 = arith.select %broadcast_in_dim3A_71, %select_n3A_68, %broadcast_in_dim3A_72 : vector<1024x640xi1>, vector<1024x640xi32>
    %reduce_max3A_74 = arith.constant dense<-2147483648> : vector<1024xi32>
    %reduce_max3A_75 = vector.multi_reduction <maxsi>, %select_n3A_73, %reduce_max3A_74 [1] : vector<1024x640xi32> to vector<1024xi32>
    %broadcast_in_dim3A_76 = vector.shape_cast %reduce_max3A_75 : vector<1024xi32> to vector<1024x1xi32>
    %sub3A_77 = arith.constant 640 : i32
    %sub3A_78 = vector.broadcast %sub3A_77 : i32 to vector<1024x1xi32>
    %sub3A_79 = arith.subi %sub3A_78, %broadcast_in_dim3A_76 : vector<1024x1xi32>
    %jit3A_80 = arith.constant 0 : i32
    %broadcast_in_dim3A_81 = vector.shape_cast %lt3A_13 : vector<1x640xi1> to vector<1x640xi1>
    %broadcast_in_dim3A_82 = vector.broadcast %broadcast_in_dim3A_81 : vector<1x640xi1> to vector<1024x640xi1>
    %broadcast_in_dim3A_83 = vector.broadcast %jit3A_80 : i32 to vector<1024x640xi32>
    %select_n3A_84 = arith.select %broadcast_in_dim3A_82, %broadcast_in_dim3A_83, %select_n3A_68 : vector<1024x640xi1>, vector<1024x640xi32>
    %reduce_max3A_85 = arith.constant dense<-2147483648> : vector<1024xi32>
    %reduce_max3A_86 = vector.multi_reduction <maxsi>, %select_n3A_84, %reduce_max3A_85 [1] : vector<1024x640xi32> to vector<1024xi32>
    %broadcast_in_dim3A_87 = vector.shape_cast %reduce_max3A_86 : vector<1024xi32> to vector<1024x1xi32>
    %sub3A_88 = arith.constant 640 : i32
    %sub3A_89 = vector.broadcast %sub3A_88 : i32 to vector<1024x1xi32>
    %sub3A_90 = arith.subi %sub3A_89, %broadcast_in_dim3A_87 : vector<1024x1xi32>
    %eq3A_91 = vector.broadcast %iota3A : vector<1x640xi32> to vector<1024x640xi32>
    %eq3A_92 = vector.broadcast %sub3A_79 : vector<1024x1xi32> to vector<1024x640xi32>
    %eq3A_93 = arith.cmpi eq, %eq3A_91, %eq3A_92 : vector<1024x640xi32>
    %eq3A_94 = vector.broadcast %iota3A : vector<1x640xi32> to vector<1024x640xi32>
    %eq3A_95 = vector.broadcast %sub3A_90 : vector<1024x1xi32> to vector<1024x640xi32>
    %eq3A_96 = arith.cmpi eq, %eq3A_94, %eq3A_95 : vector<1024x640xi32>
    %or3A = arith.ori %eq3A_93, %eq3A_96 : vector<1024x640xi1>
    %convert_element_type3A = arith.extui %or3A : vector<1024x640xi1> to vector<1024x640xi32>
    %convert_element_type3A_97 = arith.sitofp %convert_element_type3A : vector<1024x640xi32> to vector<1024x640xf32>
    %broadcast_in_dim3A_98 = arith.constant 1.000000e+00 : f32
    %broadcast_in_dim3A_99 = vector.broadcast %broadcast_in_dim3A_98 : f32 to vector<1x1024xf32>
    %dot_general3A_100 = arith.constant dense<0.000000e+00> : vector<1x640xf32>
    %dot_general3A_101 = tpu.matmul %broadcast_in_dim3A_99, %convert_element_type3A_97, %dot_general3A_100 {dimension_numbers = #tpu.dot_dimension_numbers<[1], [0], [0], [1], [0, 0, 1, 1], [], []>, transpose_lhs_hint = false} : vector<1x1024xf32>, vector<1024x640xf32>, vector<1x640xf32> -> vector<1x640xf32>
    %get3A_102 = arith.constant 0 : index
    %get3A_103 = arith.constant 0 : index
    %get3A_104 = vector.load %arg4[%get3A_102, %get3A_103] : memref<1024x640xf32, #tpu.memory_space<vmem>>, vector<1024x640xf32>
    %log3A = math.log %get3A_104 : vector<1024x640xf32>
    %neg3A = arith.constant 0.000000e+00 : f32
    %neg3A_105 = vector.broadcast %neg3A : f32 to vector<1024x640xf32>
    %neg3A_106 = arith.subf %neg3A_105, %log3A : vector<1024x640xf32>
    %log3A_107 = math.log %neg3A_106 : vector<1024x640xf32>
    %sub3A_108 = arith.subf %add3A_11, %log3A_107 : vector<1024x640xf32>
    %jit3A_109 = arith.constant -1.000000e+30 : f32
    %broadcast_in_dim3A_110 = vector.shape_cast %lt3A_13 : vector<1x640xi1> to vector<1x640xi1>
    %broadcast_in_dim3A_111 = vector.broadcast %broadcast_in_dim3A_110 : vector<1x640xi1> to vector<1024x640xi1>
    %broadcast_in_dim3A_112 = vector.broadcast %jit3A_109 : f32 to vector<1024x640xf32>
    %select_n3A_113 = arith.select %broadcast_in_dim3A_111, %sub3A_108, %broadcast_in_dim3A_112 : vector<1024x640xi1>, vector<1024x640xf32>
    %reduce_max3A_114 = arith.constant dense<0xFF800000> : vector<1024xf32>
    %reduce_max3A_115 = vector.multi_reduction <maximumf>, %select_n3A_113, %reduce_max3A_114 [1] : vector<1024x640xf32> to vector<1024xf32>
    %broadcast_in_dim3A_116 = vector.shape_cast %reduce_max3A_115 : vector<1024xf32> to vector<1024x1xf32>
    %jit3A_117 = arith.constant -1.000000e+30 : f32
    %broadcast_in_dim3A_118 = vector.shape_cast %lt3A_13 : vector<1x640xi1> to vector<1x640xi1>
    %broadcast_in_dim3A_119 = vector.broadcast %broadcast_in_dim3A_118 : vector<1x640xi1> to vector<1024x640xi1>
    %broadcast_in_dim3A_120 = vector.broadcast %jit3A_117 : f32 to vector<1024x640xf32>
    %select_n3A_121 = arith.select %broadcast_in_dim3A_119, %broadcast_in_dim3A_120, %sub3A_108 : vector<1024x640xi1>, vector<1024x640xf32>
    %reduce_max3A_122 = arith.constant dense<0xFF800000> : vector<1024xf32>
    %reduce_max3A_123 = vector.multi_reduction <maximumf>, %select_n3A_121, %reduce_max3A_122 [1] : vector<1024x640xf32> to vector<1024xf32>
    %broadcast_in_dim3A_124 = vector.shape_cast %reduce_max3A_123 : vector<1024xf32> to vector<1024x1xf32>
    %broadcast_in_dim3A_125 = vector.shape_cast %lt3A_13 : vector<1x640xi1> to vector<1x640xi1>
    %broadcast_in_dim3A_126 = vector.broadcast %broadcast_in_dim3A_125 : vector<1x640xi1> to vector<1024x640xi1>
    %broadcast_in_dim3A_127 = vector.shape_cast %broadcast_in_dim3A_116 : vector<1024x1xf32> to vector<1024x1xf32>
    %broadcast_in_dim3A_128 = vector.broadcast %broadcast_in_dim3A_127 : vector<1024x1xf32> to vector<1024x640xf32>
    %broadcast_in_dim3A_129 = vector.shape_cast %broadcast_in_dim3A_124 : vector<1024x1xf32> to vector<1024x1xf32>
    %broadcast_in_dim3A_130 = vector.broadcast %broadcast_in_dim3A_129 : vector<1024x1xf32> to vector<1024x640xf32>
    %select_n3A_131 = arith.select %broadcast_in_dim3A_126, %broadcast_in_dim3A_128, %broadcast_in_dim3A_130 : vector<1024x640xi1>, vector<1024x640xf32>
    %eq3A_132 = arith.cmpf oeq, %sub3A_108, %select_n3A_131 : vector<1024x640xf32>
    %sub3A_133 = arith.constant 640 : i32
    %sub3A_134 = vector.broadcast %sub3A_133 : i32 to vector<1x640xi32>
    %sub3A_135 = arith.subi %sub3A_134, %iota3A : vector<1x640xi32>
    %jit3A_136 = arith.constant 0 : i32
    %broadcast_in_dim3A_137 = vector.shape_cast %sub3A_135 : vector<1x640xi32> to vector<1x640xi32>
    %broadcast_in_dim3A_138 = vector.broadcast %broadcast_in_dim3A_137 : vector<1x640xi32> to vector<1024x640xi32>
    %broadcast_in_dim3A_139 = vector.broadcast %jit3A_136 : i32 to vector<1024x640xi32>
    %select_n3A_140 = arith.select %eq3A_132, %broadcast_in_dim3A_138, %broadcast_in_dim3A_139 : vector<1024x640xi1>, vector<1024x640xi32>
    %jit3A_141 = arith.constant 0 : i32
    %broadcast_in_dim3A_142 = vector.shape_cast %lt3A_13 : vector<1x640xi1> to vector<1x640xi1>
    %broadcast_in_dim3A_143 = vector.broadcast %broadcast_in_dim3A_142 : vector<1x640xi1> to vector<1024x640xi1>
    %broadcast_in_dim3A_144 = vector.broadcast %jit3A_141 : i32 to vector<1024x640xi32>
    %select_n3A_145 = arith.select %broadcast_in_dim3A_143, %select_n3A_140, %broadcast_in_dim3A_144 : vector<1024x640xi1>, vector<1024x640xi32>
    %reduce_max3A_146 = arith.constant dense<-2147483648> : vector<1024xi32>
    %reduce_max3A_147 = vector.multi_reduction <maxsi>, %select_n3A_145, %reduce_max3A_146 [1] : vector<1024x640xi32> to vector<1024xi32>
    %broadcast_in_dim3A_148 = vector.shape_cast %reduce_max3A_147 : vector<1024xi32> to vector<1024x1xi32>
    %sub3A_149 = arith.constant 640 : i32
    %sub3A_150 = vector.broadcast %sub3A_149 : i32 to vector<1024x1xi32>
    %sub3A_151 = arith.subi %sub3A_150, %broadcast_in_dim3A_148 : vector<1024x1xi32>
    %jit3A_152 = arith.constant 0 : i32
    %broadcast_in_dim3A_153 = vector.shape_cast %lt3A_13 : vector<1x640xi1> to vector<1x640xi1>
    %broadcast_in_dim3A_154 = vector.broadcast %broadcast_in_dim3A_153 : vector<1x640xi1> to vector<1024x640xi1>
    %broadcast_in_dim3A_155 = vector.broadcast %jit3A_152 : i32 to vector<1024x640xi32>
    %select_n3A_156 = arith.select %broadcast_in_dim3A_154, %broadcast_in_dim3A_155, %select_n3A_140 : vector<1024x640xi1>, vector<1024x640xi32>
    %reduce_max3A_157 = arith.constant dense<-2147483648> : vector<1024xi32>
    %reduce_max3A_158 = vector.multi_reduction <maxsi>, %select_n3A_156, %reduce_max3A_157 [1] : vector<1024x640xi32> to vector<1024xi32>
    %broadcast_in_dim3A_159 = vector.shape_cast %reduce_max3A_158 : vector<1024xi32> to vector<1024x1xi32>
    %sub3A_160 = arith.constant 640 : i32
    %sub3A_161 = vector.broadcast %sub3A_160 : i32 to vector<1024x1xi32>
    %sub3A_162 = arith.subi %sub3A_161, %broadcast_in_dim3A_159 : vector<1024x1xi32>
    %reshape3A_163 = vector.shape_cast %sub3A_151 : vector<1024x1xi32> to vector<1024xi32>
    %swap3A = arith.constant 0 : index
    %swap3A_164 = vector.load %arg5[%swap3A] : memref<1024xi32, #tpu.memory_space<vmem>>, vector<1024xi32>
    tpu.vector_store %arg5[%swap3A], %reshape3A_163 {strides = array<i32>} : memref<1024xi32, #tpu.memory_space<vmem>>, vector<1024xi32>,
    %reshape3A_165 = vector.shape_cast %sub3A_162 : vector<1024x1xi32> to vector<1024xi32>
    %swap3A_166 = arith.constant 0 : index
    %swap3A_167 = vector.load %arg6[%swap3A_166] : memref<1024xi32, #tpu.memory_space<vmem>>, vector<1024xi32>
    tpu.vector_store %arg6[%swap3A_166], %reshape3A_165 {strides = array<i32>} : memref<1024xi32, #tpu.memory_space<vmem>>, vector<1024xi32>,
    %eq3A_168 = arith.constant 0 : i32
    %eq3A_169 = arith.cmpi eq, %arg0, %eq3A_168 : i32
    %convert_element_type3A_170 = arith.extui %eq3A_169 : i1 to i32
    %cond3A = arith.constant 0 : i32
    %cond3A_171 = arith.cmpi ne, %convert_element_type3A_170, %cond3A : i32
    scf.if %cond3A_171 {
      %swap3A_181 = arith.constant 0 : index
      %swap3A_182 = arith.constant 0 : index
      %swap3A_183 = vector.load %arg9[%swap3A_181, %swap3A_182] : memref<1x640xf32, #tpu.memory_space<vmem>>, vector<1x640xf32>
      tpu.vector_store %arg9[%swap3A_181, %swap3A_182], %dot_general3A_101 {strides = array<i32>} : memref<1x640xf32, #tpu.memory_space<vmem>>, vector<1x640xf32>,
      %swap3A_184 = arith.constant 0 : index
      %swap3A_185 = arith.constant 0 : index
      %swap3A_186 = vector.load %arg10[%swap3A_184, %swap3A_185] : memref<1x640xf32, #tpu.memory_space<vmem>>, vector<1x640xf32>
      tpu.vector_store %arg10[%swap3A_184, %swap3A_185], %select_n3A_60 {strides = array<i32>} : memref<1x640xf32, #tpu.memory_space<vmem>>, vector<1x640xf32>,
    } else {
    }
    %gt3A = arith.constant 0 : i32
    %gt3A_172 = arith.cmpi sgt, %arg0, %gt3A : i32
    %convert_element_type3A_173 = arith.extui %gt3A_172 : i1 to i32
    %cond3A_174 = arith.constant 0 : i32
    %cond3A_175 = arith.cmpi ne, %convert_element_type3A_173, %cond3A_174 : i32
    scf.if %cond3A_175 {
      %get3A_181 = arith.constant 0 : index
      %get3A_182 = arith.constant 0 : index
      %get3A_183 = vector.load %arg9[%get3A_181, %get3A_182] : memref<1x640xf32, #tpu.memory_space<vmem>>, vector<1x640xf32>
      %add3A_184 = arith.addf %get3A_183, %dot_general3A_101 : vector<1x640xf32>
      %swap3A_185 = arith.constant 0 : index
      %swap3A_186 = arith.constant 0 : index
      %swap3A_187 = vector.load %arg9[%swap3A_185, %swap3A_186] : memref<1x640xf32, #tpu.memory_space<vmem>>, vector<1x640xf32>
      tpu.vector_store %arg9[%swap3A_185, %swap3A_186], %add3A_184 {strides = array<i32>} : memref<1x640xf32, #tpu.memory_space<vmem>>, vector<1x640xf32>,
      %get3A_188 = arith.constant 0 : index
      %get3A_189 = arith.constant 0 : index
      %get3A_190 = vector.load %arg10[%get3A_188, %get3A_189] : memref<1x640xf32, #tpu.memory_space<vmem>>, vector<1x640xf32>
      %add3A_191 = arith.addf %get3A_190, %select_n3A_60 : vector<1x640xf32>
      %swap3A_192 = arith.constant 0 : index
      %swap3A_193 = arith.constant 0 : index
      %swap3A_194 = vector.load %arg10[%swap3A_192, %swap3A_193] : memref<1x640xf32, #tpu.memory_space<vmem>>, vector<1x640xf32>
      tpu.vector_store %arg10[%swap3A_192, %swap3A_193], %add3A_191 {strides = array<i32>} : memref<1x640xf32, #tpu.memory_space<vmem>>, vector<1x640xf32>,
    } else {
    }
    %eq3A_176 = arith.constant 7 : i32
    %eq3A_177 = arith.cmpi eq, %arg0, %eq3A_176 : i32
    %convert_element_type3A_178 = arith.extui %eq3A_177 : i1 to i32
    %cond3A_179 = arith.constant 0 : i32
    %cond3A_180 = arith.cmpi ne, %convert_element_type3A_178, %cond3A_179 : i32
    scf.if %cond3A_180 {
      %get3A_181 = arith.constant 0 : index
      %get3A_182 = arith.constant 0 : index
      %get3A_183 = vector.load %arg9[%get3A_181, %get3A_182] : memref<1x640xf32, #tpu.memory_space<vmem>>, vector<1x640xf32>
      %div3A_184 = arith.constant 8.192000e+03 : f32
      %div3A_185 = vector.broadcast %div3A_184 : f32 to vector<1x640xf32>
      %div3A_186 = arith.divf %get3A_183, %div3A_185 : vector<1x640xf32>
      %add3A_187 = arith.constant 1.000000e-07 : f32
      %add3A_188 = vector.broadcast %add3A_187 : f32 to vector<1x640xf32>
      %add3A_189 = arith.addf %div3A_186, %add3A_188 : vector<1x640xf32>
      %log3A_190 = math.log %add3A_189 : vector<1x640xf32>
      %mul3A = arith.mulf %div3A_186, %log3A_190 : vector<1x640xf32>
      %jit3A_191 = arith.constant 0.000000e+00 : f32
      %broadcast_in_dim3A_192 = vector.broadcast %jit3A_191 : f32 to vector<1x640xf32>
      %select_n3A_193 = arith.select %lt3A_13, %mul3A, %broadcast_in_dim3A_192 : vector<1x640xi1>, vector<1x640xf32>
      %reduce_sum3A_194 = vector.shape_cast %select_n3A_193 : vector<1x640xf32> to vector<1x1x640xf32>
      %reduce_sum3A_195 = arith.constant dense<0.000000e+00> : vector<1xf32>
      %reduce_sum3A_196 = vector.multi_reduction <add>, %reduce_sum3A_194, %reduce_sum3A_195 [1, 2] : vector<1x1x640xf32> to vector<1xf32>
      %reduce_sum3A_197 = vector.shape_cast %reduce_sum3A_196 : vector<1xf32> to vector<1x1x1xf32>
      %reduce_sum3A_198 = vector.extract %reduce_sum3A_197[0, 0, 0] : f32 from vector<1x1x1xf32>
      %neg3A_199 = arith.constant 0.000000e+00 : f32
      %neg3A_200 = arith.subf %neg3A_199, %reduce_sum3A_198 : f32
      %exp3A_201 = math.exp %neg3A_200 : f32
      %jit3A_202 = arith.constant 0.000000e+00 : f32
      %broadcast_in_dim3A_203 = vector.broadcast %jit3A_202 : f32 to vector<1x640xf32>
      %select_n3A_204 = arith.select %lt3A_13, %broadcast_in_dim3A_203, %mul3A : vector<1x640xi1>, vector<1x640xf32>
      %reduce_sum3A_205 = vector.shape_cast %select_n3A_204 : vector<1x640xf32> to vector<1x1x640xf32>
      %reduce_sum3A_206 = arith.constant dense<0.000000e+00> : vector<1xf32>
      %reduce_sum3A_207 = vector.multi_reduction <add>, %reduce_sum3A_205, %reduce_sum3A_206 [1, 2] : vector<1x1x640xf32> to vector<1xf32>
      %reduce_sum3A_208 = vector.shape_cast %reduce_sum3A_207 : vector<1xf32> to vector<1x1x1xf32>
      %reduce_sum3A_209 = vector.extract %reduce_sum3A_208[0, 0, 0] : f32 from vector<1x1x1xf32>
      %neg3A_210 = arith.constant 0.000000e+00 : f32
      %neg3A_211 = arith.subf %neg3A_210, %reduce_sum3A_209 : f32
      %exp3A_212 = math.exp %neg3A_211 : f32
      %add3A_213 = arith.addf %exp3A_201, %exp3A_212 : f32
      %reshape3A_214 = vector.broadcast %add3A_213 : f32 to vector<1x1xf32>
      %swap3A_215 = arith.constant 0 : index
      %swap3A_216 = arith.constant 0 : index
      %swap3A_217 = vector.load %arg7[%swap3A_215, %swap3A_216] : memref<1x1xf32, #tpu.memory_space<vmem>>, vector<1x1xf32>
      tpu.vector_store %arg7[%swap3A_215, %swap3A_216], %reshape3A_214 {strides = array<i32>} : memref<1x1xf32, #tpu.memory_space<vmem>>, vector<1x1xf32>,
      %get3A_218 = arith.constant 0 : index
      %get3A_219 = arith.constant 0 : index
      %get3A_220 = vector.load %arg10[%get3A_218, %get3A_219] : memref<1x640xf32, #tpu.memory_space<vmem>>, vector<1x640xf32>
      %div3A_221 = arith.constant 8.192000e+03 : f32
      %div3A_222 = vector.broadcast %div3A_221 : f32 to vector<1x640xf32>
      %div3A_223 = arith.divf %get3A_220, %div3A_222 : vector<1x640xf32>
      %add3A_224 = arith.constant 1.000000e-07 : f32
      %add3A_225 = vector.broadcast %add3A_224 : f32 to vector<1x640xf32>
      %add3A_226 = arith.addf %div3A_223, %add3A_225 : vector<1x640xf32>
      %log3A_227 = math.log %add3A_226 : vector<1x640xf32>
      %mul3A_228 = arith.mulf %div3A_223, %log3A_227 : vector<1x640xf32>
      %jit3A_229 = arith.constant 0.000000e+00 : f32
      %broadcast_in_dim3A_230 = vector.broadcast %jit3A_229 : f32 to vector<1x640xf32>
      %select_n3A_231 = arith.select %lt3A_13, %mul3A_228, %broadcast_in_dim3A_230 : vector<1x640xi1>, vector<1x640xf32>
      %reduce_sum3A_232 = vector.shape_cast %select_n3A_231 : vector<1x640xf32> to vector<1x1x640xf32>
      %reduce_sum3A_233 = arith.constant dense<0.000000e+00> : vector<1xf32>
      %reduce_sum3A_234 = vector.multi_reduction <add>, %reduce_sum3A_232, %reduce_sum3A_233 [1, 2] : vector<1x1x640xf32> to vector<1xf32>
      %reduce_sum3A_235 = vector.shape_cast %reduce_sum3A_234 : vector<1xf32> to vector<1x1x1xf32>
      %reduce_sum3A_236 = vector.extract %reduce_sum3A_235[0, 0, 0] : f32 from vector<1x1x1xf32>
      %neg3A_237 = arith.constant 0.000000e+00 : f32
      %neg3A_238 = arith.subf %neg3A_237, %reduce_sum3A_236 : f32
      %exp3A_239 = math.exp %neg3A_238 : f32
      %jit3A_240 = arith.constant 0.000000e+00 : f32
      %broadcast_in_dim3A_241 = vector.broadcast %jit3A_240 : f32 to vector<1x640xf32>
      %select_n3A_242 = arith.select %lt3A_13, %broadcast_in_dim3A_241, %mul3A_228 : vector<1x640xi1>, vector<1x640xf32>
      %reduce_sum3A_243 = vector.shape_cast %select_n3A_242 : vector<1x640xf32> to vector<1x1x640xf32>
      %reduce_sum3A_244 = arith.constant dense<0.000000e+00> : vector<1xf32>
      %reduce_sum3A_245 = vector.multi_reduction <add>, %reduce_sum3A_243, %reduce_sum3A_244 [1, 2] : vector<1x1x640xf32> to vector<1xf32>
      %reduce_sum3A_246 = vector.shape_cast %reduce_sum3A_245 : vector<1xf32> to vector<1x1x1xf32>
      %reduce_sum3A_247 = vector.extract %reduce_sum3A_246[0, 0, 0] : f32 from vector<1x1x1xf32>
      %neg3A_248 = arith.constant 0.000000e+00 : f32
      %neg3A_249 = arith.subf %neg3A_248, %reduce_sum3A_247 : f32
      %exp3A_250 = math.exp %neg3A_249 : f32
      %add3A_251 = arith.addf %exp3A_239, %exp3A_250 : f32
      %reshape3A_252 = vector.broadcast %add3A_251 : f32 to vector<1x1xf32>
      %swap3A_253 = arith.constant 0 : index
      %swap3A_254 = arith.constant 0 : index
      %swap3A_255 = vector.load %arg8[%swap3A_253, %swap3A_254] : memref<1x1xf32, #tpu.memory_space<vmem>>, vector<1x1xf32>
      tpu.vector_store %arg8[%swap3A_253, %swap3A_254], %reshape3A_252 {strides = array<i32>} : memref<1x1xf32, #tpu.memory_space<vmem>>, vector<1x1xf32>,
    } else {
    }
    return
  }
  func.func @transform_0(%arg0: i32) -> (i32, i32, i32) {
    %jit3A = arith.constant 2 : i32
    %div3A = arith.divsi %arg0, %jit3A : i32
    %sign3A = arith.constant 0 : i32
    %sign3A_0 = arith.cmpi sgt, %arg0, %sign3A : i32
    %sign3A_1 = arith.extui %sign3A_0 : i1 to i32
    %sign3A_2 = arith.constant 0 : i32
    %sign3A_3 = arith.cmpi slt, %arg0, %sign3A_2 : i32
    %sign3A_4 = arith.extui %sign3A_3 : i1 to i32
    %sign3A_5 = arith.subi %sign3A_1, %sign3A_4 : i32
    %sign3A_6 = arith.constant 0 : i32
    %sign3A_7 = arith.cmpi sgt, %jit3A, %sign3A_6 : i32
    %sign3A_8 = arith.extui %sign3A_7 : i1 to i32
    %sign3A_9 = arith.constant 0 : i32
    %sign3A_10 = arith.cmpi slt, %jit3A, %sign3A_9 : i32
    %sign3A_11 = arith.extui %sign3A_10 : i1 to i32
    %sign3A_12 = arith.subi %sign3A_8, %sign3A_11 : i32
    %ne3A = arith.cmpi ne, %sign3A_5, %sign3A_12 : i32
    %rem3A = arith.remsi %arg0, %jit3A : i32
    %ne3A_13 = arith.constant 0 : i32
    %ne3A_14 = arith.cmpi ne, %rem3A, %ne3A_13 : i32
    %and3A = arith.andi %ne3A, %ne3A_14 : i1
    %sub3A = arith.constant 1 : i32
    %sub3A_15 = arith.subi %div3A, %sub3A : i32
    %select_n3A = arith.select %and3A, %sub3A_15, %div3A : i32
    %jit3A_16 = arith.constant 2 : i32
    %eq3A = arith.constant 0 : i32
    %eq3A_17 = arith.cmpi eq, %jit3A_16, %eq3A : i32
    %jit3A_18 = arith.constant 1 : i32
    %select_n3A_19 = arith.select %eq3A_17, %jit3A_18, %jit3A_16 : i32
    %rem3A_20 = arith.remsi %arg0, %select_n3A_19 : i32
    %ne3A_21 = arith.constant 0 : i32
    %ne3A_22 = arith.cmpi ne, %rem3A_20, %ne3A_21 : i32
    %lt3A = arith.constant 0 : i32
    %lt3A_23 = arith.cmpi slt, %rem3A_20, %lt3A : i32
    %lt3A_24 = arith.constant 0 : i32
    %lt3A_25 = arith.cmpi slt, %select_n3A_19, %lt3A_24 : i32
    %ne3A_26 = arith.xori %lt3A_23, %lt3A_25 : i1
    %and3A_27 = arith.andi %ne3A_26, %ne3A_22 : i1
    %add3A = arith.addi %rem3A_20, %select_n3A_19 : i32
    %select_n3A_28 = arith.select %and3A_27, %add3A, %rem3A_20 : i32
    %c0_i32 = arith.constant 0 : i32
    %c0_i32_29 = arith.constant 0 : i32
    return %select_n3A, %select_n3A_28, %c0_i32 : i32, i32, i32
  }
  func.func @transform_1(%arg0: i32) -> (i32, i32) {
    %c0_i32 = arith.constant 0 : i32
    %c0_i32_0 = arith.constant 0 : i32
    %c0_i32_1 = arith.constant 0 : i32
    return %c0_i32, %c0_i32_0 : i32, i32
  }
  func.func @transform_2(%arg0: i32) -> (i32, i32) {
    %c0_i32 = arith.constant 0 : i32
    %c0_i32_0 = arith.constant 0 : i32
    %c0_i32_1 = arith.constant 0 : i32
    return %c0_i32, %c0_i32_0 : i32, i32
  }
  func.func @transform_3(%arg0: i32) -> (i32, i32) {
    %c0_i32 = arith.constant 0 : i32
    %c0_i32_0 = arith.constant 0 : i32
    return %arg0, %c0_i32 : i32, i32
  }
  func.func @transform_4(%arg0: i32) -> i32 {
    %c0_i32 = arith.constant 0 : i32
    return %arg0 : i32
  }
  func.func @transform_5(%arg0: i32) -> i32 {
    %c0_i32 = arith.constant 0 : i32
    return %arg0 : i32
  }
  func.func @transform_6(%arg0: i32) -> (i32, i32) {
    %c0_i32 = arith.constant 0 : i32
    %c0_i32_0 = arith.constant 0 : i32
    %c0_i32_1 = arith.constant 0 : i32
    return %c0_i32, %c0_i32_0 : i32, i32
  }
  func.func @transform_7(%arg0: i32) -> (i32, i32) {
    %c0_i32 = arith.constant 0 : i32
    %c0_i32_0 = arith.constant 0 : i32
    %c0_i32_1 = arith.constant 0 : i32
    return %c0_i32, %c0_i32_0 : i32, i32
  }
}

</mosaic_0001>

<sc_bundles>
// kernel: kernel.4.cloned.1.call-start
scs
__scs_entry_jumppad:
0x0: {  	(pc) =	sbr.rel $0x88, $3  }
0x1: {  	(tag) =	ssettag $0x0;
	lr =	simm.s32 $0x1  }
0x2: {  	[smem:$0x3F9C] =	sst lr;
	_ =	strace $0xD0000000  }
0x3: {  	_ = 	snop  }
0x4: {  	_ = 	snop  }
0x5: {  	_ = 	snop  }
0x6: {  	_ = 	snop  }
0x7: {  	_ = 	snop  }
__scs_overlays_trampoline_lowered:
0x8: {  	[smem:$0x3FAB] =	sst s0  }
0x9: {  	[smem:$0x3FAC] =	sst s1  }
0xa: {  	[smem:$0x3FAD] =	sst s2  }
0xb: {  	[smem:$0x3FAE] =	sst s3  }
0xc: {  	[smem:$0x3FAF] =	sst s4  }
0xd: {  	[smem:$0x3FB0] =	sst s5  }
0xe: {  	[smem:$0x3FB1] =	sst s6  }
0xf: {  	[smem:$0x3FB2] =	sst s7  }
0x10: {  	[smem:$0x3FB3] =	sst s8  }
0x11: {  	[smem:$0x3FB4] =	sst s9;
	s0 =	simm.s32 @!p0 $0x0  }
0x12: {  	s1 =	sld [smem:$0x3F9A];
	s0 =	simm.s32 @p0 $0x1  }
0x13: {  	[smem:$0x3FB5] =	sst s0;
	s0 =	simm.s32 @!p1 $0x0  }
0x14: {  	s2 =	sld [smem:$0x3F99];
	s0 =	simm.s32 @p1 $0x1  }
0x15: {  	[smem:$0x3FB6] =	sst s0;
	s0 =	simm.s32 @!p2 $0x0  }
0x16: {  	s3 =	sld [smem:$0x3FDB];
	s0 =	simm.s32 @p2 $0x1  }
0x17: {  	s4 =	simm.s32 $0x1BF5;
	[smem:$0x3FB8] =	sst s0  }
0x18: {  	s0 =	sld [smem:$0x3F9B];
	_ =	swait.ge [sflag:s4], $0x0  }
0x19: {  	s7 =	sld [smem:$0x3F9C]  }
0x1a: {  	s8 =	sadd.s32 $0xFFFFE003, lr  }
0x1b: {  	s9 =	sadd.s32 $0xFFFFFEF7, lr;
	s5 =	simm.s32 $0xFFFFFFFF;
	p2 =	slt.u32 s8, $0xFFFFF086  }
0x1c: {  	p1 =	slt.u32 s9, $0xF7A;
	s5 =	simm.s32 @!p2 $0x0  }
0x1d: {  	s5 =	simm.s32 @p1 $0x1;
	p0 =	seq.s32 s7, s2  }
0x1e: {  	s7 =	smul.u32 @!p0 $0xF7A, s2;
	p2 =	seq.s32 @!p0 s5, $0x0  }
0x1f: {  	s9 =	smul.u32 $0xF7A, s1;
	s8 =	simm.s32 @!p0 $0x1BF5;
	p2 =	por !p2, p0  }
0x20: {  	[sflag:s8] =	ssyncset.s32 @!p0 $0xFFFFF086;
	s6 =	sadd.s32 @!p0 s3, s7;
	s7 =	simm.s32 @!p0 $0x108  }
0x21: {  	s3 =	sadd.s32 s3, s9;
	s6 =	sadd.s32 @!p0 $0x88, s6;
	s7 =	simm.s32 @p2 $0x1082  }
0x22: {  	[simem:s7], [sflag:s8] =	dma.local @!p0 [hbm:s6], $0xF7A  }
0x23: {  	s9 =	sor.u32 $0xD0000000, s2;
	s6 =	simm.s32 $0x108;
	_ =	swait.ge @!p0 [sflag:s8], $0x0  }
0x24: {  	s3 =	sadd.s32 $0x88, s3;
	s6 =	simm.s32 @!p1 $0x1082;
	[sflag:s4] =	ssyncset.s32 $0xFFFFF086  }
0x25: {  	[simem:s6], [sflag:s4] =	dma.local [hbm:s3], $0xF7A  }
0x26: {  	[smem:$0x3F9C] =	sst s1;
	(tag) =	ssettag s2;
	_ =	strace s9  }
0x27: {  	s1 =	sld [smem:$0x3FAC]  }
0x28: {  	s2 =	sld [smem:$0x3FAD]  }
0x29: {  	s4 =	sld [smem:$0x3FAF]  }
0x2a: {  	p0 =	seq.s32 s5, $0x0;
	s5 =	sld [smem:$0x3FB0]  }
0x2b: {  	s6 =	sld [smem:$0x3FB1]  }
0x2c: {  	s7 =	sld [smem:$0x3FB2]  }
0x2d: {  	s3 =	simm.s32 $0x108;
	s8 =	sld [smem:$0x3FB3]  }
0x2e: {  	s3 =	simm.s32 @!p0 $0x1082;
	s9 =	sld [smem:$0x3FB4]  }
0x2f: {  	lr =	sadd.s32 s0, s3;
	s0 =	sld [smem:$0x3FAB]  }
0x30: {  	s3 =	sld [smem:$0x3FAE]  }
0x31: {  	[smem:$0x3FB7] =	sst s10  }
0x32: {  	s10 =	sld [smem:$0x3FB5];
	_ =	sdelay $0x3  }
0x33: {  	p0 =	seq.s32 s10, $0x1;
	s10 =	sld [smem:$0x3FB7];
	_ =	sdelay $0x3  }
0x34: {  	[smem:$0x3FB7] =	sst s10  }
0x35: {  	s10 =	sld [smem:$0x3FB6];
	_ =	sdelay $0x3  }
0x36: {  	p1 =	seq.s32 s10, $0x1;
	s10 =	sld [smem:$0x3FB7];
	_ =	sdelay $0x3  }
0x37: {  	[smem:$0x3FB7] =	sst s10  }
0x38: {  	s10 =	sld [smem:$0x3FB8]  }
0x39: {  	_ = 	snop;
	(pc) =	sbr.ind lr, $3  }
0x3a: {  	_ = 	snop  }
0x3b: {  	_ = 	snop  }
0x3c: {  	p2 =	seq.s32 s10, $0x1;
	s10 =	sld [smem:$0x3FB7]  }
0x3d: {  	_ =	shalt  }
0x3e: {  	_ =	shalt  }
0x3f: {  	_ =	shalt  }
0x40: {  	_ =	shalt  }
0x41: {  	_ =	shalt  }
0x42: {  	_ =	shalt  }
0x43: {  	_ =	shalt  }
0x44: {  	_ =	shalt  }
0x45: {  	_ =	shalt  }
0x46: {  	_ =	shalt  }
0x47: {  	_ =	shalt  }
0x48: {  	_ =	shalt  }
0x49: {  	_ =	shalt  }
0x4a: {  	_ =	shalt  }
0x4b: {  	_ =	shalt  }
0x4c: {  	_ =	shalt  }
0x4d: {  	_ =	shalt  }
0x4e: {  	_ =	shalt  }
0x4f: {  	_ =	shalt  }
0x50: {  	_ =	shalt  }
0x51: {  	_ =	shalt  }
0x52: {  	_ =	shalt  }
0x53: {  	_ =	shalt  }
0x54: {  	_ =	shalt  }
0x55: {  	_ =	shalt  }
0x56: {  	_ =	shalt  }
0x57: {  	_ =	shalt  }
0x58: {  	_ =	shalt  }
0x59: {  	_ =	shalt  }
0x5a: {  	_ =	shalt  }
0x5b: {  	_ =	shalt  }
0x5c: {  	_ =	shalt  }
0x5d: {  	_ =	shalt  }
0x5e: {  	_ =	shalt  }
0x5f: {  	_ =	shalt  }
0x60: {  	_ =	shalt  }
0x61: {  	_ =	shalt  }
0x62: {  	_ =	shalt  }
0x63: {  	_ =	shalt  }
0x64: {  	_ =	shalt  }
0x65: {  	_ =	shalt  }
0x66: {  	_ =	shalt  }
0x67: {  	_ =	shalt  }
0x68: {  	_ =	shalt  }
0x69: {  	_ =	shalt  }
0x6a: {  	_ =	shalt  }
0x6b: {  	_ =	shalt  }
0x6c: {  	_ =	shalt  }
0x6d: {  	_ =	shalt  }
0x6e: {  	_ =	shalt  }
0x6f: {  	_ =	shalt  }
0x70: {  	_ =	shalt  }
0x71: {  	_ =	shalt  }
0x72: {  	_ =	shalt  }
0x73: {  	_ =	shalt  }
0x74: {  	_ =	shalt  }
0x75: {  	_ =	shalt  }
0x76: {  	_ =	shalt  }
0x77: {  	_ =	shalt  }
0x78: {  	_ =	shalt  }
0x79: {  	_ =	shalt  }
0x7a: {  	_ =	shalt  }
0x7b: {  	_ =	shalt  }
0x7c: {  	_ =	shalt  }
0x7d: {  	_ =	shalt  }
0x7e: {  	_ =	shalt  }
0x7f: {  	_ =	shalt  }
0x80: {  	_ =	shalt  }
0x81: {  	_ =	shalt  }
0x82: {  	_ =	shalt  }
0x83: {  	_ =	shalt  }
0x84: {  	_ =	shalt  }
0x85: {  	_ =	shalt  }
0x86: {  	_ =	shalt  }
0x87: {  	_ =	shalt  }
.Lfunc_end0:
.L_simem_size_0:
called_computation_lowered:
.L_overlay_start_0:
0x88: {  	s2 =	sld [smem:$0x3FD9]  }
0x89: {  	s3 =	sld [smem:$0x3FFE];
	_ =	sdelay $0x1  }
0x8a: {  	s1 =	srdreg.scid  }
0x8b: {  	s0 =	sand.u32 $0x1, s1  }
0x8c: {  	s14 =	sshll.u32 s0, $0xA;
	s2 =	sadd.s32 s3, s2  }
0x8d: {  	s2 =	sadd.s32 s2, s14  }
0x8e: {  	[smem:$0x3FC3] =	sst s2  }
0x8f: {  	_ = 	snop  }
0x90: {  	s2 =	sld [smem:$0x3FD0];
	_ =	sdelay $0x2  }
0x91: {  	s4 =	simm.s32 $0xA;
	s5 =	simm.s32 $0x10;
	s15 =	sld [smem:$0x3FC6]  }
0x92: {  	[smem:s5], [sflag:s4] =	dma.local [hbm:s2], $0x1  }
0x93: {  	_ =	swait.eq [sflag:s4], $0x1  }
0x94: {  	[sflag:s4] =	ssyncset.done $0x0  }
0x95: {  	[sflag:s4] =	ssyncadd.s32 $0xFFFFFFFF  }
0x96: {  	s16 =	sld [smem:$0x10];
	(tm) =	ssettm $0x1  }
0x97: {  	s17 =	sld [smem:$0x3FFB];
	_ =	sdelay $0x3  }
0x98: {  	_ =	strace s17  }
0x99: {  	s4 =	sld [smem:$0x3FFC];
	_ =	sdelay $0x3  }
0x9a: {  	_ =	strace s4  }
0x9b: {  	s4 =	sld [smem:$0x3FFD];
	_ =	sdelay $0x3  }
0x9c: {  	_ =	strace s4  }
0x9d: {  	_ =	strace $0x8FFFFFFF  }
0x9e: {  	s18 =	sld [smem:$0x3FDB];
	_ =	sdelay $0x1  }
0x9f: {  	s19 =	simm.s32 $_scs_section_size  }
0xa0: {  	s6 =	simm.s32 $_size__tile_overlayer_lowered;
	s7 =	simm.s32 $_tile_overlayer_lowered  }
0xa1: {  	s22 =	simm.s32 $0x1BFF;
	s21 =	sshll.u32 s7, $0x1;
	s4 =	sadd.s32 s19, s18  }
0xa2: {  	s8 =	simm.s32 $0x0;
	s20 =	sshll.u32 s6, $0x1;
	s6 =	sadd.s32 s21, s4  }
0xa3: {  	[timem:s8], [sflag:s22] =	dma.local [hbm:s6], s20  }
0xa4: {  	_ =	swait.ge [sflag:s22], s20  }
0xa5: {  	s5 =	ssub.s32 $0x0, s20;
	[sflag:s22] =	ssyncset.done $0x0  }
0xa6: {  	[sflag:s22] =	ssyncadd.s32 s5;
	_ =	sdelay $0x1  }
0xa7: {  	s23 =	simm.s32 $0x1B8B  }
0xa8: {  	_ =	swait.ge [sflag:s23], $0x1  }
0xa9: {  	[sflag:s23] =	ssyncset.done $0x0  }
0xaa: {  	s25 =	simm.s32 $0x1B8E;
	s24 =	sld [smem:$0x3FFE];
	[sflag:s23] =	ssyncadd.s32 $0xFFFFFFFF  }
0xab: {  	s26 =	simm.s32 $execute0_lowered;
	[smem:$0x3FD2] =	sst s25  }
0xac: {  	s6 =	sshll.u32 s26, $0x1;
	_ =	strace $0x80000046;
	[dreg:$0x1] =	wrdreg $0xFFFFFFFF  }
0xad: {  	s28 =	simm.s32 $_size_execute0_lowered;
	s4 =	sadd.s32 s4, s6;
	[dreg:$0x0] =	wrdreg $0x0  }
0xae: {  	s6 =	sshll.u32 s28, $0x1;
	[dreg:$0x2] =	wrdreg s4  }
0xaf: {  	[dreg:$0x3] =	wrdreg s6  }
0xb0: {  	[dreg:$0x4] =	wrdreg $0xC0  }
0xb1: {  	_ =	task [dreg:s8], $0x5FFFF  }
0xb2: {  	[dreg:$0x1] =	wrdreg $0xFFFFFFFF  }
0xb3: {  	[dreg:$0x0] =	wrdreg $0x60  }
0xb4: {  	[dreg:$0x2] =	wrdreg s15  }
0xb5: {  	[dreg:$0x3] =	wrdreg s24  }
0xb6: {  	[dreg:$0x4] =	wrdreg s16  }
0xb7: {  	[dreg:$0x5] =	wrdreg $0x9  }
0xb8: {  	_ =	task.clear_ibuf [dreg:s8], $0x6FFFF;
	_ =	strace $0x90000046  }
0xb9: {  	s29 =	simm.s32 $0x9;
	_ =	strace $0x80000048  }
0xba: {  	_ =	swait.ge [sflag:s29], $0x1  }
0xbb: {  	[sflag:s29] =	ssyncadd.s32 $0xFFFFFFFF  }
0xbc: {  	_ =	strace $0x90000048  }
0xbd: {  	_ =	sfence  }
0xbe: {  	s30 =	sld [smem:$0x0];
	_ =	sdelay $0x2  }
0xbf: {  	s31 =	sshll.u32 s1, $0xD;
	s1 =	sshrl.u32 s1, $0x2  }
0xc0: {  	s3 =	sand.u32 $0x4000, s31;
	s1 =	sadd.s32 s1, s30  }
0xc1: {  	s0 =	sor.u32 s3, s0;
	s1 =	sshll.u32 s1, $0x11  }
0xc2: {  	s0 =	sor.u32 s1, s0  }
0xc3: {  	s0 =	sadd.s32 $0x8F2B, s0  }
0xc4: {  	[sflag:s0] =	ssyncadd.remote.s32 $0x1  }
0xc5: {  	_ =	sfence.sel $0xFFFF  }
0xc6: {  	[dreg:$0x0] =	wrdreg $0xFFFFFFFF;
	(pc) =	sbr.abs _section_cstart, $3  }
0xc7: {  	[dreg:$0x1] =	wrdreg $0xFFFFFFFF  }
0xc8: {  	_ =	task.clear_ibuf [dreg:s8], $0x2FFFF;
	_ =	strace $0x9FFFFFFF  }
0xc9: {  	(tm) =	ssettm $0x7FFFFFFF  }
tec
execute0_lowered:
.L_overlay_start_1:
0x0: {  	(tag) =	ssettag $0x1  }
0x1: {  	s1 =	rddreg [dreg:$0x0]  }
0x2: {  	s0 =	rddreg [dreg:$0x1]  }
0x3: {  	s2 =	rddreg [dreg:$0x2];
	s4 =	srdreg.scid  }
0x4: {  	s3 =	simm.s32 $0x0;
	s5 =	stileid.u32;
	s10 =	simm.s32 $0x3  }
0x5: {  	s28 =	simm.s32 $0x2;
	s29 =	simm.s32 $0x4;
	s31 =	simm.s32 $0x900  }
0x6: {  	s11 =	simm.s32 $0x2D00;
	s12 =	simm.s32 $0x3100;
	s13 =	simm.s32 $0x3900  }
0x7: {  	s14 =	simm.s32 $0x3D00;
	s16 =	simm.s32 $0x4500;
	s17 =	simm.s32 $0x4900  }
0x8: {  	s15 =	simm.s32 $0x8100;
	s4 =	sand.u32 $0x1, s4;
	[smem:$0x7FF] =	sst s3  }
0x9: {  	s5 =	sshll.u32 s5, $0x6;
	s7 =	sadd.s32 $0xE00, s0;
	s0 =	sadd.s32 $0x1200, s0  }
0xa: {  	s21 =	sadd.s32 $0x180, s2;
	s6 =	sshll.u32 s4, $0x5;
	s4 =	ssub.s32 $0x2, s4  }
0xb: {  	_ =	strace $0x80000047;
	s5 =	sor.u32 s6, s5;
	s24 =	sshrl.u32 s4, $0x1  }
0xc: {  	s6 =	sadd.s32 s7, s5;
	s8 =	smul.u32 $0x300, s5;
	s18 =	sadd.s32 s0, s5  }
0xd: {  	s5 =	sor.u32 $0x10, s5;
	s26 =	ssub.s32 s4, s24;
	[dreg:$0x4] =	wrdreg s6  }
0xe: {  	s4 =	sadd.s32 $0x100, s1;
	s24 =	simm.s32 $0x7500;
	[dreg:$0x5] =	wrdreg s18  }
0xf: {  	s20 =	sadd.s32 s7, s5;
	s23 =	smul.u32 $0x300, s5;
	s0 =	sadd.s32 s0, s5  }
0x10: {  	s5 =	smax.u32 s26, $0x1;
	s6 =	simm.s32 $0x5;
	[dreg:$0x7] =	wrdreg s20  }
0x11: {  	s18 =	simm.s32 $0x5100;
	s19 =	sadd.s32 s2, s8;
	[dreg:$0x9] =	wrdreg s0  }
0x12: {  	s26 =	simm.s32 $0x1;
	s22 =	sadd.s32 s8, s21;
	[dreg:$0x6] =	wrdreg s19  }
0x13: {  	s20 =	simm.s32 $0x5D00;
	s8 =	simm.s32 $0x1800;
	[dreg:$0x8] =	wrdreg s22  }
0x14: {  	v2 =	vlaneseq.u32;
	s25 =	sadd.s32 s2, s23;
	s30 =	sadd.s32 s23, s21;
	s19 =	simm.s32 $0x5500  }
0x15: {  	vm0 =	vmmov $0xffff;
	vm1 =	vmmov $0xff;
	v1 =	vshrl.u32 v2, $0x3;
	s21 =	simm.s32 $0x6100;
	s22 =	simm.s32 $0x6900;
	[dreg:$0xa] =	wrdreg s25  }
0x16: {  	v0 =	vand.u32 $0x7, v2;
	v2 =	vor.u32 $0x8, v2;
	v1 =	vmul.u32 $0x8, v1;
	s23 =	simm.s32 $0x8500;
	[dreg:$0xb] =	wrdreg s30;
	s25 =	simm.s32 $0x7900  }
.LBB2_1:
0x17: {  	s30 =	rddreg [dreg:$0x4]  }
0x18: {  	[tilespmem:s3], [sflag:$0x5] =	stream.linear.gather [hbm4b:s30+s3], $0x80, $0x38;
	[tilespmem:$0x18100] =	vst v63  }
0x19: {  	_ =	swait.ge [sflag:s6], $0x80  }
0x1a: {  	[sflag:s6] =	ssyncset.done $0x0  }
0x1b: {  	[sflag:s6] =	ssyncadd.s32 $0xFFFFFF80  }
0x1c: {  	v3 =	vld [tilespmem:$0x0];
	_ =	sdelay $0x4  }
0x1d: {  	v4 =	vshrl.u32 v3, $0x3  }
0x1e: {  	v4 =	vmul.u32 $0x18, v4  }
0x1f: {  	v3 =	vand.u32 $0x7, v3  }
0x20: {  	v3 =	vor.u32 v3, v4  }
0x21: {  	v4 =	vperm.xlane v3, v0;
	_ =	sdelay $0x1  }
0x22: {  	v4 =	vadd.s32 v1, v4;
	_ =	sdelay $0x1  }
0x23: {  	v3 =	vperm.xlane v3, v2;
	_ =	sdelay $0x1  }
0x24: {  	s0 =	simm.s32 $0x100;
	v3 =	vadd.s32 v1, v3  }
0x25: {  	[tilespmem:s0], [sflag:$0x1] =	stream.indirect_vreg.gather [hbm4b:s1+s3], $0x80, v4, vm0, $0xb8;
	[tilespmem:$0x18100] =	vst v63  }
0x26: {  	_ = 	snop  }
0x27: {  	[tilespmem:s31], [sflag:$0x1] =	stream.indirect_vreg.gather [hbm4b:s4+s3], $0x80, v4, vm1, $0xb8;
	[tilespmem:$0x18100] =	vst v63  }
0x28: {  	s30 =	simm.s32 $0xD00  }
0x29: {  	[tilespmem:s30], [sflag:$0x1] =	stream.indirect_vreg.gather [hbm4b:s1+s3], $0x80, v3, vm0, $0xb8;
	[tilespmem:$0x18100] =	vst v63  }
0x2a: {  	s2 =	simm.s32 $0x1500  }
0x2b: {  	[tilespmem:s2], [sflag:$0x1] =	stream.indirect_vreg.gather [hbm4b:s4+s3], $0x80, v3, vm1, $0xb8;
	[tilespmem:$0x18100] =	vst v63  }
0x2c: {  	v3 =	vld [tilespmem:$0x10];
	_ =	sdelay $0x4  }
0x2d: {  	v33 =	vshrl.u32 v3, $0x3  }
0x2e: {  	v4 =	vmul.u32 $0x18, v33  }
0x2f: {  	v3 =	vand.u32 $0x7, v3  }
0x30: {  	v3 =	vor.u32 v3, v4  }
0x31: {  	v4 =	vperm.xlane v3, v0;
	_ =	sdelay $0x1  }
0x32: {  	v4 =	vadd.s32 v1, v4;
	_ =	sdelay $0x1  }
0x33: {  	v3 =	vperm.xlane v3, v2;
	_ =	sdelay $0x1  }
0x34: {  	s7 =	simm.s32 $0x1900;
	v3 =	vadd.s32 v1, v3  }
0x35: {  	[tilespmem:s7], [sflag:$0x1] =	stream.indirect_vreg.gather [hbm4b:s1+s3], $0x80, v4, vm0, $0xb8;
	[tilespmem:$0x18100] =	vst v63  }
0x36: {  	s9 =	simm.s32 $0x2100  }
0x37: {  	[tilespmem:s9], [sflag:$0x1] =	stream.indirect_vreg.gather [hbm4b:s4+s3], $0x80, v4, vm1, $0xb8;
	[tilespmem:$0x18100] =	vst v63  }
0x38: {  	s30 =	simm.s32 $0x2500  }
0x39: {  	[tilespmem:s30], [sflag:$0x1] =	stream.indirect_vreg.gather [hbm4b:s1+s3], $0x80, v3, vm0, $0xb8;
	[tilespmem:$0x18100] =	vst v63  }
0x3a: {  	_ = 	snop  }
0x3b: {  	[tilespmem:s11], [sflag:$0x1] =	stream.indirect_vreg.gather [hbm4b:s4+s3], $0x80, v3, vm1, $0xb8;
	[tilespmem:$0x18100] =	vst v63  }
0x3c: {  	v3 =	vld [tilespmem:$0x20];
	_ =	sdelay $0x4  }
0x3d: {  	v34 =	vshrl.u32 v3, $0x3  }
0x3e: {  	v4 =	vmul.u32 $0x18, v34  }
0x3f: {  	v3 =	vand.u32 $0x7, v3  }
0x40: {  	v3 =	vor.u32 v3, v4  }
0x41: {  	v4 =	vperm.xlane v3, v0;
	_ =	sdelay $0x1  }
0x42: {  	v4 =	vadd.s32 v1, v4;
	_ =	sdelay $0x1  }
0x43: {  	v3 =	vperm.xlane v3, v2;
	_ =	sdelay $0x1  }
0x44: {  	v3 =	vadd.s32 v1, v3  }
0x45: {  	[tilespmem:s12], [sflag:$0x1] =	stream.indirect_vreg.gather [hbm4b:s1+s3], $0x80, v4, vm0, $0xb8;
	[tilespmem:$0x18100] =	vst v63  }
0x46: {  	_ = 	snop  }
0x47: {  	[tilespmem:s13], [sflag:$0x1] =	stream.indirect_vreg.gather [hbm4b:s4+s3], $0x80, v4, vm1, $0xb8;
	[tilespmem:$0x18100] =	vst v63  }
0x48: {  	_ = 	snop  }
0x49: {  	[tilespmem:s14], [sflag:$0x1] =	stream.indirect_vreg.gather [hbm4b:s1+s3], $0x80, v3, vm0, $0xb8;
	[tilespmem:$0x18100] =	vst v63  }
0x4a: {  	_ = 	snop  }
0x4b: {  	[tilespmem:s16], [sflag:$0x1] =	stream.indirect_vreg.gather [hbm4b:s4+s3], $0x80, v3, vm1, $0xb8;
	[tilespmem:$0x18100] =	vst v63  }
0x4c: {  	v3 =	vld [tilespmem:$0x30];
	_ =	sdelay $0x4  }
0x4d: {  	v35 =	vshrl.u32 v3, $0x3  }
0x4e: {  	v4 =	vmul.u32 $0x18, v35  }
0x4f: {  	v3 =	vand.u32 $0x7, v3  }
0x50: {  	v3 =	vor.u32 v3, v4  }
0x51: {  	v4 =	vperm.xlane v3, v0;
	_ =	sdelay $0x1  }
0x52: {  	v4 =	vadd.s32 v1, v4;
	_ =	sdelay $0x1  }
0x53: {  	v3 =	vperm.xlane v3, v2;
	_ =	sdelay $0x1  }
0x54: {  	v3 =	vadd.s32 v1, v3  }
0x55: {  	[tilespmem:s17], [sflag:$0x1] =	stream.indirect_vreg.gather [hbm4b:s1+s3], $0x80, v4, vm0, $0xb8;
	[tilespmem:$0x18100] =	vst v63  }
0x56: {  	_ = 	snop  }
0x57: {  	[tilespmem:s18], [sflag:$0x1] =	stream.indirect_vreg.gather [hbm4b:s4+s3], $0x80, v4, vm1, $0xb8;
	[tilespmem:$0x18100] =	vst v63  }
0x58: {  	_ = 	snop  }
0x59: {  	[tilespmem:s19], [sflag:$0x1] =	stream.indirect_vreg.gather [hbm4b:s1+s3], $0x80, v3, vm0, $0xb8;
	[tilespmem:$0x18100] =	vst v63  }
0x5a: {  	_ = 	snop  }
0x5b: {  	[tilespmem:s20], [sflag:$0x1] =	stream.indirect_vreg.gather [hbm4b:s4+s3], $0x80, v3, vm1, $0xb8;
	[tilespmem:$0x18100] =	vst v63  }
0x5c: {  	v3 =	vld [tilespmem:$0x40];
	_ =	sdelay $0x4  }
0x5d: {  	v36 =	vshrl.u32 v3, $0x3  }
0x5e: {  	v4 =	vmul.u32 $0x18, v36  }
0x5f: {  	v3 =	vand.u32 $0x7, v3  }
0x60: {  	v3 =	vor.u32 v3, v4  }
0x61: {  	v4 =	vperm.xlane v3, v0;
	_ =	sdelay $0x1  }
0x62: {  	v4 =	vadd.s32 v1, v4;
	_ =	sdelay $0x1  }
0x63: {  	v3 =	vperm.xlane v3, v2;
	_ =	sdelay $0x1  }
0x64: {  	v3 =	vadd.s32 v1, v3  }
0x65: {  	[tilespmem:s21], [sflag:$0x1] =	stream.indirect_vreg.gather [hbm4b:s1+s3], $0x80, v4, vm0, $0xb8;
	[tilespmem:$0x18100] =	vst v63  }
0x66: {  	_ = 	snop  }
0x67: {  	[tilespmem:s22], [sflag:$0x1] =	stream.indirect_vreg.gather [hbm4b:s4+s3], $0x80, v4, vm1, $0xb8;
	[tilespmem:$0x18100] =	vst v63  }
0x68: {  	s2 =	simm.s32 $0x6D00  }
0x69: {  	[tilespmem:s2], [sflag:$0x1] =	stream.indirect_vreg.gather [hbm4b:s1+s3], $0x80, v3, vm0, $0xb8;
	[tilespmem:$0x18100] =	vst v63  }
0x6a: {  	_ = 	snop  }
0x6b: {  	[tilespmem:s24], [sflag:$0x1] =	stream.indirect_vreg.gather [hbm4b:s4+s3], $0x80, v3, vm1, $0xb8;
	[tilespmem:$0x18100] =	vst v63  }
0x6c: {  	v3 =	vld [tilespmem:$0x50];
	_ =	sdelay $0x4  }
0x6d: {  	v37 =	vshrl.u32 v3, $0x3  }
0x6e: {  	v4 =	vmul.u32 $0x18, v37  }
0x6f: {  	v3 =	vand.u32 $0x7, v3  }
0x70: {  	v3 =	vor.u32 v3, v4  }
0x71: {  	v4 =	vperm.xlane v3, v0;
	_ =	sdelay $0x1  }
0x72: {  	v4 =	vadd.s32 v1, v4;
	_ =	sdelay $0x1  }
0x73: {  	v3 =	vperm.xlane v3, v2;
	_ =	sdelay $0x1  }
0x74: {  	v3 =	vadd.s32 v1, v3  }
0x75: {  	[tilespmem:s25], [sflag:$0x1] =	stream.indirect_vreg.gather [hbm4b:s1+s3], $0x80, v4, vm0, $0xb8;
	[tilespmem:$0x18100] =	vst v63  }
0x76: {  	_ = 	snop  }
0x77: {  	[tilespmem:s15], [sflag:$0x1] =	stream.indirect_vreg.gather [hbm4b:s4+s3], $0x80, v4, vm1, $0xb8;
	[tilespmem:$0x18100] =	vst v63  }
0x78: {  	_ = 	snop  }
0x79: {  	[tilespmem:s23], [sflag:$0x1] =	stream.indirect_vreg.gather [hbm4b:s1+s3], $0x80, v3, vm0, $0xb8;
	[tilespmem:$0x18100] =	vst v63  }
0x7a: {  	s7 =	simm.s32 $0x8D00  }
0x7b: {  	[tilespmem:s7], [sflag:$0x1] =	stream.indirect_vreg.gather [hbm4b:s4+s3], $0x80, v3, vm1, $0xb8;
	[tilespmem:$0x18100] =	vst v63  }
0x7c: {  	v3 =	vld [tilespmem:$0x60];
	_ =	sdelay $0x4  }
0x7d: {  	v38 =	vshrl.u32 v3, $0x3  }
0x7e: {  	v4 =	vmul.u32 $0x18, v38  }
0x7f: {  	v3 =	vand.u32 $0x7, v3  }
0x80: {  	v3 =	vor.u32 v3, v4  }
0x81: {  	v4 =	vperm.xlane v3, v0;
	_ =	sdelay $0x1  }
0x82: {  	v4 =	vadd.s32 v1, v4;
	_ =	sdelay $0x1  }
0x83: {  	v3 =	vperm.xlane v3, v2;
	_ =	sdelay $0x1  }
0x84: {  	s9 =	simm.s32 $0x9100;
	v3 =	vadd.s32 v1, v3  }
0x85: {  	[tilespmem:s9], [sflag:$0x1] =	stream.indirect_vreg.gather [hbm4b:s1+s3], $0x80, v4, vm0, $0xb8;
	[tilespmem:$0x18100] =	vst v63  }
0x86: {  	s30 =	simm.s32 $0x9900  }
0x87: {  	[tilespmem:s30], [sflag:$0x1] =	stream.indirect_vreg.gather [hbm4b:s4+s3], $0x80, v4, vm1, $0xb8;
	[tilespmem:$0x18100] =	vst v63  }
0x88: {  	s2 =	simm.s32 $0x9D00  }
0x89: {  	[tilespmem:s2], [sflag:$0x1] =	stream.indirect_vreg.gather [hbm4b:s1+s3], $0x80, v3, vm0, $0xb8;
	[tilespmem:$0x18100] =	vst v63  }
0x8a: {  	s7 =	simm.s32 $0xA500  }
0x8b: {  	[tilespmem:s7], [sflag:$0x1] =	stream.indirect_vreg.gather [hbm4b:s4+s3], $0x80, v3, vm1, $0xb8;
	[tilespmem:$0x18100] =	vst v63  }
0x8c: {  	v3 =	vld [tilespmem:$0x70];
	_ =	sdelay $0x4  }
0x8d: {  	v39 =	vshrl.u32 v3, $0x3  }
0x8e: {  	v4 =	vmul.u32 $0x18, v39  }
0x8f: {  	v3 =	vand.u32 $0x7, v3  }
0x90: {  	v3 =	vor.u32 v3, v4  }
0x91: {  	v4 =	vperm.xlane v3, v0;
	_ =	sdelay $0x1  }
0x92: {  	v4 =	vadd.s32 v1, v4;
	_ =	sdelay $0x1  }
0x93: {  	v3 =	vperm.xlane v3, v2;
	_ =	sdelay $0x1  }
0x94: {  	s9 =	simm.s32 $0xA900;
	v3 =	vadd.s32 v1, v3  }
0x95: {  	[tilespmem:s9], [sflag:$0x1] =	stream.indirect_vreg.gather [hbm4b:s1+s3], $0x80, v4, vm0, $0xb8;
	[tilespmem:$0x18100] =	vst v63  }
0x96: {  	s30 =	simm.s32 $0xB100  }
0x97: {  	[tilespmem:s30], [sflag:$0x1] =	stream.indirect_vreg.gather [hbm4b:s4+s3], $0x80, v4, vm1, $0xb8;
	[tilespmem:$0x18100] =	vst v63  }
0x98: {  	s2 =	simm.s32 $0xB500  }
0x99: {  	[tilespmem:s2], [sflag:$0x1] =	stream.indirect_vreg.gather [hbm4b:s1+s3], $0x80, v3, vm0, $0xb8;
	[tilespmem:$0x18100] =	vst v63  }
0x9a: {  	s2 =	simm.s32 $0xBD00  }
0x9b: {  	[tilespmem:s2], [sflag:$0x1] =	stream.indirect_vreg.gather [hbm4b:s4+s3], $0x80, v3, vm1, $0xb8;
	[tilespmem:$0x18100] =	vst v63  }
0x9c: {  	s7 =	rddreg [dreg:$0x5];
	s9 =	simm.s32 $0x80  }
0x9d: {  	[tilespmem:s9], [sflag:$0x5] =	stream.linear.gather [hbm4b:s7+s3], $0x80, $0x38;
	[tilespmem:$0x18100] =	vst v63  }
0x9e: {  	_ =	swait.ge [sflag:s6], $0x80  }
0x9f: {  	[sflag:s6] =	ssyncset.done $0x0  }
0xa0: {  	[sflag:s6] =	ssyncadd.s32 $0xFFFFFF80  }
0xa1: {  	v3 =	vld [tilespmem:$0x80];
	_ =	sdelay $0x4  }
0xa2: {  	v40 =	vshrl.u32 v3, $0x3  }
0xa3: {  	v4 =	vmul.u32 $0x18, v40  }
0xa4: {  	v3 =	vand.u32 $0x7, v3  }
0xa5: {  	v3 =	vor.u32 v3, v4  }
0xa6: {  	v4 =	vperm.xlane v3, v0;
	_ =	sdelay $0x1  }
0xa7: {  	v4 =	vadd.s32 v1, v4;
	_ =	sdelay $0x1  }
0xa8: {  	v3 =	vperm.xlane v3, v2;
	_ =	sdelay $0x1  }
0xa9: {  	s0 =	simm.s32 $0xC100;
	v3 =	vadd.s32 v1, v3  }
0xaa: {  	[tilespmem:s0], [sflag:$0x2] =	stream.indirect_vreg.gather [hbm4b:s1+s3], $0x80, v4, vm0, $0xb8;
	[tilespmem:$0x18100] =	vst v63  }
0xab: {  	s7 =	simm.s32 $0xC900  }
0xac: {  	[tilespmem:s7], [sflag:$0x2] =	stream.indirect_vreg.gather [hbm4b:s4+s3], $0x80, v4, vm1, $0xb8;
	[tilespmem:$0x18100] =	vst v63  }
0xad: {  	s30 =	simm.s32 $0xCD00  }
0xae: {  	[tilespmem:s30], [sflag:$0x2] =	stream.indirect_vreg.gather [hbm4b:s1+s3], $0x80, v3, vm0, $0xb8;
	[tilespmem:$0x18100] =	vst v63  }
0xaf: {  	s9 =	simm.s32 $0xD500  }
0xb0: {  	[tilespmem:s9], [sflag:$0x2] =	stream.indirect_vreg.gather [hbm4b:s4+s3], $0x80, v3, vm1, $0xb8;
	[tilespmem:$0x18100] =	vst v63  }
0xb1: {  	v3 =	vld [tilespmem:$0x90];
	_ =	sdelay $0x4  }
0xb2: {  	v41 =	vshrl.u32 v3, $0x3  }
0xb3: {  	v4 =	vmul.u32 $0x18, v41  }
0xb4: {  	v3 =	vand.u32 $0x7, v3  }
0xb5: {  	v3 =	vor.u32 v3, v4  }
0xb6: {  	v4 =	vperm.xlane v3, v0;
	_ =	sdelay $0x1  }
0xb7: {  	v4 =	vadd.s32 v1, v4;
	_ =	sdelay $0x1  }
0xb8: {  	v3 =	vperm.xlane v3, v2;
	_ =	sdelay $0x1  }
0xb9: {  	s30 =	simm.s32 $0xD900;
	v3 =	vadd.s32 v1, v3  }
0xba: {  	[tilespmem:s30], [sflag:$0x2] =	stream.indirect_vreg.gather [hbm4b:s1+s3], $0x80, v4, vm0, $0xb8;
	[tilespmem:$0x18100] =	vst v63  }
0xbb: {  	s9 =	simm.s32 $0xE100  }
0xbc: {  	[tilespmem:s9], [sflag:$0x2] =	stream.indirect_vreg.gather [hbm4b:s4+s3], $0x80, v4, vm1, $0xb8;
	[tilespmem:$0x18100] =	vst v63  }
0xbd: {  	s30 =	simm.s32 $0xE500  }
0xbe: {  	[tilespmem:s30], [sflag:$0x2] =	stream.indirect_vreg.gather [hbm4b:s1+s3], $0x80, v3, vm0, $0xb8;
	[tilespmem:$0x18100] =	vst v63  }
0xbf: {  	s9 =	simm.s32 $0xED00  }
0xc0: {  	[tilespmem:s9], [sflag:$0x2] =	stream.indirect_vreg.gather [hbm4b:s4+s3], $0x80, v3, vm1, $0xb8;
	[tilespmem:$0x18100] =	vst v63  }
0xc1: {  	v3 =	vld [tilespmem:$0xA0];
	_ =	sdelay $0x4  }
0xc2: {  	v42 =	vshrl.u32 v3, $0x3  }
0xc3: {  	v4 =	vmul.u32 $0x18, v42  }
0xc4: {  	v3 =	vand.u32 $0x7, v3  }
0xc5: {  	v3 =	vor.u32 v3, v4  }
0xc6: {  	v4 =	vperm.xlane v3, v0;
	_ =	sdelay $0x1  }
0xc7: {  	v4 =	vadd.s32 v1, v4;
	_ =	sdelay $0x1  }
0xc8: {  	v3 =	vperm.xlane v3, v2;
	_ =	sdelay $0x1  }
0xc9: {  	s30 =	simm.s32 $0xF100;
	v3 =	vadd.s32 v1, v3  }
0xca: {  	[tilespmem:s30], [sflag:$0x2] =	stream.indirect_vreg.gather [hbm4b:s1+s3], $0x80, v4, vm0, $0xb8;
	[tilespmem:$0x18100] =	vst v63  }
0xcb: {  	s9 =	simm.s32 $0xF900  }
0xcc: {  	[tilespmem:s9], [sflag:$0x2] =	stream.indirect_vreg.gather [hbm4b:s4+s3], $0x80, v4, vm1, $0xb8;
	[tilespmem:$0x18100] =	vst v63  }
0xcd: {  	s30 =	simm.s32 $0xFD00  }
0xce: {  	[tilespmem:s30], [sflag:$0x2] =	stream.indirect_vreg.gather [hbm4b:s1+s3], $0x80, v3, vm0, $0xb8;
	[tilespmem:$0x18100] =	vst v63  }
0xcf: {  	s9 =	simm.s32 $0x10500  }
0xd0: {  	[tilespmem:s9], [sflag:$0x2] =	stream.indirect_vreg.gather [hbm4b:s4+s3], $0x80, v3, vm1, $0xb8;
	[tilespmem:$0x18100] =	vst v63  }
0xd1: {  	v3 =	vld [tilespmem:$0xB0];
	_ =	sdelay $0x4  }
0xd2: {  	v43 =	vshrl.u32 v3, $0x3  }
0xd3: {  	v4 =	vmul.u32 $0x18, v43  }
0xd4: {  	v3 =	vand.u32 $0x7, v3  }
0xd5: {  	v3 =	vor.u32 v3, v4  }
0xd6: {  	v4 =	vperm.xlane v3, v0;
	_ =	sdelay $0x1  }
0xd7: {  	v4 =	vadd.s32 v1, v4;
	_ =	sdelay $0x1  }
0xd8: {  	v3 =	vperm.xlane v3, v2;
	_ =	sdelay $0x1  }
0xd9: {  	s30 =	simm.s32 $0x10900;
	v3 =	vadd.s32 v1, v3  }
0xda: {  	[tilespmem:s30], [sflag:$0x2] =	stream.indirect_vreg.gather [hbm4b:s1+s3], $0x80, v4, vm0, $0xb8;
	[tilespmem:$0x18100] =	vst v63  }
0xdb: {  	s9 =	simm.s32 $0x11100  }
0xdc: {  	[tilespmem:s9], [sflag:$0x2] =	stream.indirect_vreg.gather [hbm4b:s4+s3], $0x80, v4, vm1, $0xb8;
	[tilespmem:$0x18100] =	vst v63  }
0xdd: {  	s30 =	simm.s32 $0x11500  }
0xde: {  	[tilespmem:s30], [sflag:$0x2] =	stream.indirect_vreg.gather [hbm4b:s1+s3], $0x80, v3, vm0, $0xb8;
	[tilespmem:$0x18100] =	vst v63  }
0xdf: {  	s9 =	simm.s32 $0x11D00  }
0xe0: {  	[tilespmem:s9], [sflag:$0x2] =	stream.indirect_vreg.gather [hbm4b:s4+s3], $0x80, v3, vm1, $0xb8;
	[tilespmem:$0x18100] =	vst v63  }
0xe1: {  	v3 =	vld [tilespmem:$0xC0];
	_ =	sdelay $0x4  }
0xe2: {  	v44 =	vshrl.u32 v3, $0x3  }
0xe3: {  	v4 =	vmul.u32 $0x18, v44  }
0xe4: {  	v3 =	vand.u32 $0x7, v3  }
0xe5: {  	v3 =	vor.u32 v3, v4  }
0xe6: {  	v4 =	vperm.xlane v3, v0;
	_ =	sdelay $0x1  }
0xe7: {  	v4 =	vadd.s32 v1, v4;
	_ =	sdelay $0x1  }
0xe8: {  	v3 =	vperm.xlane v3, v2;
	_ =	sdelay $0x1  }
0xe9: {  	s30 =	simm.s32 $0x12100;
	v3 =	vadd.s32 v1, v3  }
0xea: {  	[tilespmem:s30], [sflag:$0x2] =	stream.indirect_vreg.gather [hbm4b:s1+s3], $0x80, v4, vm0, $0xb8;
	[tilespmem:$0x18100] =	vst v63  }
0xeb: {  	s9 =	simm.s32 $0x12900  }
0xec: {  	[tilespmem:s9], [sflag:$0x2] =	stream.indirect_vreg.gather [hbm4b:s4+s3], $0x80, v4, vm1, $0xb8;
	[tilespmem:$0x18100] =	vst v63  }
0xed: {  	s30 =	simm.s32 $0x12D00  }
0xee: {  	[tilespmem:s30], [sflag:$0x2] =	stream.indirect_vreg.gather [hbm4b:s1+s3], $0x80, v3, vm0, $0xb8;
	[tilespmem:$0x18100] =	vst v63  }
0xef: {  	s9 =	simm.s32 $0x13500  }
0xf0: {  	[tilespmem:s9], [sflag:$0x2] =	stream.indirect_vreg.gather [hbm4b:s4+s3], $0x80, v3, vm1, $0xb8;
	[tilespmem:$0x18100] =	vst v63  }
0xf1: {  	v3 =	vld [tilespmem:$0xD0];
	_ =	sdelay $0x4  }
0xf2: {  	v45 =	vshrl.u32 v3, $0x3  }
0xf3: {  	v4 =	vmul.u32 $0x18, v45  }
0xf4: {  	v3 =	vand.u32 $0x7, v3  }
0xf5: {  	v3 =	vor.u32 v3, v4  }
0xf6: {  	v4 =	vperm.xlane v3, v0;
	_ =	sdelay $0x1  }
0xf7: {  	v4 =	vadd.s32 v1, v4;
	_ =	sdelay $0x1  }
0xf8: {  	v3 =	vperm.xlane v3, v2;
	_ =	sdelay $0x1  }
0xf9: {  	s30 =	simm.s32 $0x13900;
	v3 =	vadd.s32 v1, v3  }
0xfa: {  	[tilespmem:s30], [sflag:$0x2] =	stream.indirect_vreg.gather [hbm4b:s1+s3], $0x80, v4, vm0, $0xb8;
	[tilespmem:$0x18100] =	vst v63  }
0xfb: {  	s9 =	simm.s32 $0x14100  }
0xfc: {  	[tilespmem:s9], [sflag:$0x2] =	stream.indirect_vreg.gather [hbm4b:s4+s3], $0x80, v4, vm1, $0xb8;
	[tilespmem:$0x18100] =	vst v63  }
0xfd: {  	s30 =	simm.s32 $0x14500  }
0xfe: {  	[tilespmem:s30], [sflag:$0x2] =	stream.indirect_vreg.gather [hbm4b:s1+s3], $0x80, v3, vm0, $0xb8;
	[tilespmem:$0x18100] =	vst v63  }
0xff: {  	s9 =	simm.s32 $0x14D00  }
0x100: {  	[tilespmem:s9], [sflag:$0x2] =	stream.indirect_vreg.gather [hbm4b:s4+s3], $0x80, v3, vm1, $0xb8;
	[tilespmem:$0x18100] =	vst v63  }
0x101: {  	v3 =	vld [tilespmem:$0xE0];
	_ =	sdelay $0x4  }
0x102: {  	v46 =	vshrl.u32 v3, $0x3  }
0x103: {  	v4 =	vmul.u32 $0x18, v46  }
0x104: {  	v3 =	vand.u32 $0x7, v3  }
0x105: {  	v3 =	vor.u32 v3, v4  }
0x106: {  	v4 =	vperm.xlane v3, v0;
	_ =	sdelay $0x1  }
0x107: {  	v4 =	vadd.s32 v1, v4;
	_ =	sdelay $0x1  }
0x108: {  	v3 =	vperm.xlane v3, v2;
	_ =	sdelay $0x1  }
0x109: {  	s30 =	simm.s32 $0x15100;
	v3 =	vadd.s32 v1, v3  }
0x10a: {  	[tilespmem:s30], [sflag:$0x2] =	stream.indirect_vreg.gather [hbm4b:s1+s3], $0x80, v4, vm0, $0xb8;
	[tilespmem:$0x18100] =	vst v63  }
0x10b: {  	s9 =	simm.s32 $0x15900  }
0x10c: {  	[tilespmem:s9], [sflag:$0x2] =	stream.indirect_vreg.gather [hbm4b:s4+s3], $0x80, v4, vm1, $0xb8;
	[tilespmem:$0x18100] =	vst v63  }
0x10d: {  	s30 =	simm.s32 $0x15D00  }
0x10e: {  	[tilespmem:s30], [sflag:$0x2] =	stream.indirect_vreg.gather [hbm4b:s1+s3], $0x80, v3, vm0, $0xb8;
	[tilespmem:$0x18100] =	vst v63  }
0x10f: {  	s9 =	simm.s32 $0x16500  }
0x110: {  	[tilespmem:s9], [sflag:$0x2] =	stream.indirect_vreg.gather [hbm4b:s4+s3], $0x80, v3, vm1, $0xb8;
	[tilespmem:$0x18100] =	vst v63  }
0x111: {  	v3 =	vld [tilespmem:$0xF0];
	_ =	sdelay $0x4  }
0x112: {  	v47 =	vshrl.u32 v3, $0x3  }
0x113: {  	v4 =	vmul.u32 $0x18, v47  }
0x114: {  	v3 =	vand.u32 $0x7, v3  }
0x115: {  	v3 =	vor.u32 v3, v4  }
0x116: {  	v4 =	vperm.xlane v3, v0;
	_ =	sdelay $0x1  }
0x117: {  	v4 =	vadd.s32 v1, v4;
	_ =	sdelay $0x1  }
0x118: {  	v3 =	vperm.xlane v3, v2;
	_ =	sdelay $0x1  }
0x119: {  	s30 =	simm.s32 $0x16900;
	v3 =	vadd.s32 v1, v3  }
0x11a: {  	[tilespmem:s30], [sflag:$0x2] =	stream.indirect_vreg.gather [hbm4b:s1+s3], $0x80, v4, vm0, $0xb8;
	[tilespmem:$0x18100] =	vst v63  }
0x11b: {  	s9 =	simm.s32 $0x17100  }
0x11c: {  	[tilespmem:s9], [sflag:$0x2] =	stream.indirect_vreg.gather [hbm4b:s4+s3], $0x80, v4, vm1, $0xb8;
	[tilespmem:$0x18100] =	vst v63  }
0x11d: {  	s30 =	simm.s32 $0x17500  }
0x11e: {  	[tilespmem:s30], [sflag:$0x2] =	stream.indirect_vreg.gather [hbm4b:s1+s3], $0x80, v3, vm0, $0xb8;
	[tilespmem:$0x18100] =	vst v63  }
0x11f: {  	s9 =	simm.s32 $0x17D00  }
0x120: {  	[tilespmem:s9], [sflag:$0x2] =	stream.indirect_vreg.gather [hbm4b:s4+s3], $0x80, v3, vm1, $0xb8;
	[tilespmem:$0x18100] =	vst v63  }
0x121: {  	_ =	swait.ge [sflag:s26], $0xC000  }
0x122: {  	s7 =	simm.s32 $0xC00;
	[sflag:s26] =	ssyncset.done $0x0  }
0x123: {  	s9 =	simm.s32 $0x100;
	s30 =	rddreg [dreg:$0x6];
	[sflag:s26] =	ssyncadd.s32 $0xFFFF4000  }
0x124: {  	[hbm4b:s30+s7] =	stream.strided.scatter [tilespmem:s9], [sflag:$0x3], $0xC000, s8, s7, $0x38;
	[tilespmem:$0x18100] =	vst v63  }
0x125: {  	_ =	swait.ge [sflag:s10], $0xC000  }
0x126: {  	[sflag:s10] =	ssyncset.done $0x0  }
0x127: {  	s30 =	rddreg [dreg:$0x7];
	[sflag:s10] =	ssyncadd.s32 $0xFFFF4000  }
0x128: {  	[tilespmem:s3], [sflag:$0x5] =	stream.linear.gather [hbm4b:s30+s3], $0x80, $0x38;
	[tilespmem:$0x18100] =	vst v63  }
0x129: {  	_ =	swait.ge [sflag:s6], $0x80  }
0x12a: {  	[sflag:s6] =	ssyncset.done $0x0  }
0x12b: {  	[sflag:s6] =	ssyncadd.s32 $0xFFFFFF80  }
0x12c: {  	v3 =	vld [tilespmem:$0x0];
	_ =	sdelay $0x4  }
0x12d: {  	v48 =	vshrl.u32 v3, $0x3  }
0x12e: {  	v4 =	vmul.u32 $0x18, v48  }
0x12f: {  	v3 =	vand.u32 $0x7, v3  }
0x130: {  	v3 =	vor.u32 v3, v4  }
0x131: {  	v4 =	vperm.xlane v3, v0;
	_ =	sdelay $0x1  }
0x132: {  	v4 =	vadd.s32 v1, v4;
	_ =	sdelay $0x1  }
0x133: {  	v3 =	vperm.xlane v3, v2;
	_ =	sdelay $0x1  }
0x134: {  	v3 =	vadd.s32 v1, v3  }
0x135: {  	[tilespmem:s9], [sflag:$0x1] =	stream.indirect_vreg.gather [hbm4b:s1+s3], $0x80, v4, vm0, $0xb8;
	[tilespmem:$0x18100] =	vst v63  }
0x136: {  	_ = 	snop  }
0x137: {  	[tilespmem:s31], [sflag:$0x1] =	stream.indirect_vreg.gather [hbm4b:s4+s3], $0x80, v4, vm1, $0xb8;
	[tilespmem:$0x18100] =	vst v63  }
0x138: {  	s30 =	simm.s32 $0xD00  }
0x139: {  	[tilespmem:s30], [sflag:$0x1] =	stream.indirect_vreg.gather [hbm4b:s1+s3], $0x80, v3, vm0, $0xb8;
	[tilespmem:$0x18100] =	vst v63  }
0x13a: {  	s30 =	simm.s32 $0x1500  }
0x13b: {  	[tilespmem:s30], [sflag:$0x1] =	stream.indirect_vreg.gather [hbm4b:s4+s3], $0x80, v3, vm1, $0xb8;
	[tilespmem:$0x18100] =	vst v63  }
0x13c: {  	v3 =	vld [tilespmem:$0x10];
	_ =	sdelay $0x4  }
0x13d: {  	v49 =	vshrl.u32 v3, $0x3  }
0x13e: {  	v4 =	vmul.u32 $0x18, v49  }
0x13f: {  	v3 =	vand.u32 $0x7, v3  }
0x140: {  	v3 =	vor.u32 v3, v4  }
0x141: {  	v4 =	vperm.xlane v3, v0;
	_ =	sdelay $0x1  }
0x142: {  	v4 =	vadd.s32 v1, v4;
	_ =	sdelay $0x1  }
0x143: {  	v3 =	vperm.xlane v3, v2;
	_ =	sdelay $0x1  }
0x144: {  	s30 =	simm.s32 $0x1900;
	v3 =	vadd.s32 v1, v3  }
0x145: {  	[tilespmem:s30], [sflag:$0x1] =	stream.indirect_vreg.gather [hbm4b:s1+s3], $0x80, v4, vm0, $0xb8;
	[tilespmem:$0x18100] =	vst v63  }
0x146: {  	s30 =	simm.s32 $0x2100  }
0x147: {  	[tilespmem:s30], [sflag:$0x1] =	stream.indirect_vreg.gather [hbm4b:s4+s3], $0x80, v4, vm1, $0xb8;
	[tilespmem:$0x18100] =	vst v63  }
0x148: {  	s30 =	simm.s32 $0x2500  }
0x149: {  	[tilespmem:s30], [sflag:$0x1] =	stream.indirect_vreg.gather [hbm4b:s1+s3], $0x80, v3, vm0, $0xb8;
	[tilespmem:$0x18100] =	vst v63  }
0x14a: {  	_ = 	snop  }
0x14b: {  	[tilespmem:s11], [sflag:$0x1] =	stream.indirect_vreg.gather [hbm4b:s4+s3], $0x80, v3, vm1, $0xb8;
	[tilespmem:$0x18100] =	vst v63  }
0x14c: {  	v3 =	vld [tilespmem:$0x20];
	_ =	sdelay $0x4  }
0x14d: {  	v50 =	vshrl.u32 v3, $0x3  }
0x14e: {  	v4 =	vmul.u32 $0x18, v50  }
0x14f: {  	v3 =	vand.u32 $0x7, v3  }
0x150: {  	v3 =	vor.u32 v3, v4  }
0x151: {  	v4 =	vperm.xlane v3, v0;
	_ =	sdelay $0x1  }
0x152: {  	v4 =	vadd.s32 v1, v4;
	_ =	sdelay $0x1  }
0x153: {  	v3 =	vperm.xlane v3, v2;
	_ =	sdelay $0x1  }
0x154: {  	v3 =	vadd.s32 v1, v3  }
0x155: {  	[tilespmem:s12], [sflag:$0x1] =	stream.indirect_vreg.gather [hbm4b:s1+s3], $0x80, v4, vm0, $0xb8;
	[tilespmem:$0x18100] =	vst v63  }
0x156: {  	_ = 	snop  }
0x157: {  	[tilespmem:s13], [sflag:$0x1] =	stream.indirect_vreg.gather [hbm4b:s4+s3], $0x80, v4, vm1, $0xb8;
	[tilespmem:$0x18100] =	vst v63  }
0x158: {  	_ = 	snop  }
0x159: {  	[tilespmem:s14], [sflag:$0x1] =	stream.indirect_vreg.gather [hbm4b:s1+s3], $0x80, v3, vm0, $0xb8;
	[tilespmem:$0x18100] =	vst v63  }
0x15a: {  	_ = 	snop  }
0x15b: {  	[tilespmem:s16], [sflag:$0x1] =	stream.indirect_vreg.gather [hbm4b:s4+s3], $0x80, v3, vm1, $0xb8;
	[tilespmem:$0x18100] =	vst v63  }
0x15c: {  	v3 =	vld [tilespmem:$0x30];
	_ =	sdelay $0x4  }
0x15d: {  	v51 =	vshrl.u32 v3, $0x3  }
0x15e: {  	v4 =	vmul.u32 $0x18, v51  }
0x15f: {  	v3 =	vand.u32 $0x7, v3  }
0x160: {  	v3 =	vor.u32 v3, v4  }
0x161: {  	v4 =	vperm.xlane v3, v0;
	_ =	sdelay $0x1  }
0x162: {  	v4 =	vadd.s32 v1, v4;
	_ =	sdelay $0x1  }
0x163: {  	v3 =	vperm.xlane v3, v2;
	_ =	sdelay $0x1  }
0x164: {  	v3 =	vadd.s32 v1, v3  }
0x165: {  	[tilespmem:s17], [sflag:$0x1] =	stream.indirect_vreg.gather [hbm4b:s1+s3], $0x80, v4, vm0, $0xb8;
	[tilespmem:$0x18100] =	vst v63  }
0x166: {  	_ = 	snop  }
0x167: {  	[tilespmem:s18], [sflag:$0x1] =	stream.indirect_vreg.gather [hbm4b:s4+s3], $0x80, v4, vm1, $0xb8;
	[tilespmem:$0x18100] =	vst v63  }
0x168: {  	_ = 	snop  }
0x169: {  	[tilespmem:s19], [sflag:$0x1] =	stream.indirect_vreg.gather [hbm4b:s1+s3], $0x80, v3, vm0, $0xb8;
	[tilespmem:$0x18100] =	vst v63  }
0x16a: {  	_ = 	snop  }
0x16b: {  	[tilespmem:s20], [sflag:$0x1] =	stream.indirect_vreg.gather [hbm4b:s4+s3], $0x80, v3, vm1, $0xb8;
	[tilespmem:$0x18100] =	vst v63  }
0x16c: {  	v3 =	vld [tilespmem:$0x40];
	_ =	sdelay $0x4  }
0x16d: {  	v52 =	vshrl.u32 v3, $0x3  }
0x16e: {  	v4 =	vmul.u32 $0x18, v52  }
0x16f: {  	v3 =	vand.u32 $0x7, v3  }
0x170: {  	v3 =	vor.u32 v3, v4  }
0x171: {  	v4 =	vperm.xlane v3, v0;
	_ =	sdelay $0x1  }
0x172: {  	v4 =	vadd.s32 v1, v4;
	_ =	sdelay $0x1  }
0x173: {  	v3 =	vperm.xlane v3, v2;
	_ =	sdelay $0x1  }
0x174: {  	v3 =	vadd.s32 v1, v3  }
0x175: {  	[tilespmem:s21], [sflag:$0x1] =	stream.indirect_vreg.gather [hbm4b:s1+s3], $0x80, v4, vm0, $0xb8;
	[tilespmem:$0x18100] =	vst v63  }
0x176: {  	_ = 	snop  }
0x177: {  	[tilespmem:s22], [sflag:$0x1] =	stream.indirect_vreg.gather [hbm4b:s4+s3], $0x80, v4, vm1, $0xb8;
	[tilespmem:$0x18100] =	vst v63  }
0x178: {  	s30 =	simm.s32 $0x6D00  }
0x179: {  	[tilespmem:s30], [sflag:$0x1] =	stream.indirect_vreg.gather [hbm4b:s1+s3], $0x80, v3, vm0, $0xb8;
	[tilespmem:$0x18100] =	vst v63  }
0x17a: {  	_ = 	snop  }
0x17b: {  	[tilespmem:s24], [sflag:$0x1] =	stream.indirect_vreg.gather [hbm4b:s4+s3], $0x80, v3, vm1, $0xb8;
	[tilespmem:$0x18100] =	vst v63  }
0x17c: {  	v3 =	vld [tilespmem:$0x50];
	_ =	sdelay $0x4  }
0x17d: {  	v53 =	vshrl.u32 v3, $0x3  }
0x17e: {  	v4 =	vmul.u32 $0x18, v53  }
0x17f: {  	v3 =	vand.u32 $0x7, v3  }
0x180: {  	v3 =	vor.u32 v3, v4  }
0x181: {  	v4 =	vperm.xlane v3, v0;
	_ =	sdelay $0x1  }
0x182: {  	v4 =	vadd.s32 v1, v4;
	_ =	sdelay $0x1  }
0x183: {  	v3 =	vperm.xlane v3, v2;
	_ =	sdelay $0x1  }
0x184: {  	v3 =	vadd.s32 v1, v3  }
0x185: {  	[tilespmem:s25], [sflag:$0x1] =	stream.indirect_vreg.gather [hbm4b:s1+s3], $0x80, v4, vm0, $0xb8;
	[tilespmem:$0x18100] =	vst v63  }
0x186: {  	_ = 	snop  }
0x187: {  	[tilespmem:s15], [sflag:$0x1] =	stream.indirect_vreg.gather [hbm4b:s4+s3], $0x80, v4, vm1, $0xb8;
	[tilespmem:$0x18100] =	vst v63  }
0x188: {  	_ = 	snop  }
0x189: {  	[tilespmem:s23], [sflag:$0x1] =	stream.indirect_vreg.gather [hbm4b:s1+s3], $0x80, v3, vm0, $0xb8;
	[tilespmem:$0x18100] =	vst v63  }
0x18a: {  	s30 =	simm.s32 $0x8D00  }
0x18b: {  	[tilespmem:s30], [sflag:$0x1] =	stream.indirect_vreg.gather [hbm4b:s4+s3], $0x80, v3, vm1, $0xb8;
	[tilespmem:$0x18100] =	vst v63  }
0x18c: {  	v3 =	vld [tilespmem:$0x60];
	_ =	sdelay $0x4  }
0x18d: {  	v54 =	vshrl.u32 v3, $0x3  }
0x18e: {  	v4 =	vmul.u32 $0x18, v54  }
0x18f: {  	v3 =	vand.u32 $0x7, v3  }
0x190: {  	v3 =	vor.u32 v3, v4  }
0x191: {  	v4 =	vperm.xlane v3, v0;
	_ =	sdelay $0x1  }
0x192: {  	v4 =	vadd.s32 v1, v4;
	_ =	sdelay $0x1  }
0x193: {  	v3 =	vperm.xlane v3, v2;
	_ =	sdelay $0x1  }
0x194: {  	s30 =	simm.s32 $0x9100;
	v3 =	vadd.s32 v1, v3  }
0x195: {  	[tilespmem:s30], [sflag:$0x1] =	stream.indirect_vreg.gather [hbm4b:s1+s3], $0x80, v4, vm0, $0xb8;
	[tilespmem:$0x18100] =	vst v63  }
0x196: {  	s30 =	simm.s32 $0x9900  }
0x197: {  	[tilespmem:s30], [sflag:$0x1] =	stream.indirect_vreg.gather [hbm4b:s4+s3], $0x80, v4, vm1, $0xb8;
	[tilespmem:$0x18100] =	vst v63  }
0x198: {  	s30 =	simm.s32 $0x9D00  }
0x199: {  	[tilespmem:s30], [sflag:$0x1] =	stream.indirect_vreg.gather [hbm4b:s1+s3], $0x80, v3, vm0, $0xb8;
	[tilespmem:$0x18100] =	vst v63  }
0x19a: {  	s30 =	simm.s32 $0xA500  }
0x19b: {  	[tilespmem:s30], [sflag:$0x1] =	stream.indirect_vreg.gather [hbm4b:s4+s3], $0x80, v3, vm1, $0xb8;
	[tilespmem:$0x18100] =	vst v63  }
0x19c: {  	v3 =	vld [tilespmem:$0x70];
	_ =	sdelay $0x4  }
0x19d: {  	v55 =	vshrl.u32 v3, $0x3  }
0x19e: {  	v4 =	vmul.u32 $0x18, v55  }
0x19f: {  	v3 =	vand.u32 $0x7, v3  }
0x1a0: {  	v3 =	vor.u32 v3, v4  }
0x1a1: {  	v4 =	vperm.xlane v3, v0;
	_ =	sdelay $0x1  }
0x1a2: {  	v4 =	vadd.s32 v1, v4;
	_ =	sdelay $0x1  }
0x1a3: {  	v3 =	vperm.xlane v3, v2;
	_ =	sdelay $0x1  }
0x1a4: {  	s30 =	simm.s32 $0xA900;
	v3 =	vadd.s32 v1, v3  }
0x1a5: {  	[tilespmem:s30], [sflag:$0x1] =	stream.indirect_vreg.gather [hbm4b:s1+s3], $0x80, v4, vm0, $0xb8;
	[tilespmem:$0x18100] =	vst v63  }
0x1a6: {  	s30 =	simm.s32 $0xB100  }
0x1a7: {  	[tilespmem:s30], [sflag:$0x1] =	stream.indirect_vreg.gather [hbm4b:s4+s3], $0x80, v4, vm1, $0xb8;
	[tilespmem:$0x18100] =	vst v63  }
0x1a8: {  	s30 =	simm.s32 $0xB500  }
0x1a9: {  	[tilespmem:s30], [sflag:$0x1] =	stream.indirect_vreg.gather [hbm4b:s1+s3], $0x80, v3, vm0, $0xb8;
	[tilespmem:$0x18100] =	vst v63  }
0x1aa: {  	_ = 	snop  }
0x1ab: {  	[tilespmem:s2], [sflag:$0x1] =	stream.indirect_vreg.gather [hbm4b:s4+s3], $0x80, v3, vm1, $0xb8;
	[tilespmem:$0x18100] =	vst v63  }
0x1ac: {  	_ =	swait.ge [sflag:s28], $0xC000  }
0x1ad: {  	[sflag:s28] =	ssyncset.done $0x0  }
0x1ae: {  	s9 =	rddreg [dreg:$0x8];
	[sflag:s28] =	ssyncadd.s32 $0xFFFF4000  }
0x1af: {  	[hbm4b:s9+s7] =	stream.strided.scatter [tilespmem:s0], [sflag:$0x4], $0xC000, s8, s7, $0x38;
	[tilespmem:$0x18100] =	vst v63  }
0x1b0: {  	_ =	swait.ge [sflag:s29], $0xC000  }
0x1b1: {  	[sflag:s29] =	ssyncset.done $0x0  }
0x1b2: {  	s9 =	simm.s32 $0x80;
	s2 =	rddreg [dreg:$0x9];
	[sflag:s29] =	ssyncadd.s32 $0xFFFF4000  }
0x1b3: {  	[tilespmem:s9], [sflag:$0x5] =	stream.linear.gather [hbm4b:s2+s3], $0x80, $0x38;
	[tilespmem:$0x18100] =	vst v63  }
0x1b4: {  	_ =	swait.ge [sflag:s6], $0x80  }
0x1b5: {  	[sflag:s6] =	ssyncset.done $0x0  }
0x1b6: {  	[sflag:s6] =	ssyncadd.s32 $0xFFFFFF80  }
0x1b7: {  	v3 =	vld [tilespmem:$0x80];
	_ =	sdelay $0x4  }
0x1b8: {  	v56 =	vshrl.u32 v3, $0x3  }
0x1b9: {  	v4 =	vmul.u32 $0x18, v56  }
0x1ba: {  	v3 =	vand.u32 $0x7, v3  }
0x1bb: {  	v3 =	vor.u32 v3, v4  }
0x1bc: {  	v4 =	vperm.xlane v3, v0;
	_ =	sdelay $0x1  }
0x1bd: {  	v4 =	vadd.s32 v1, v4;
	_ =	sdelay $0x1  }
0x1be: {  	v3 =	vperm.xlane v3, v2;
	_ =	sdelay $0x1  }
0x1bf: {  	v3 =	vadd.s32 v1, v3  }
0x1c0: {  	[tilespmem:s0], [sflag:$0x2] =	stream.indirect_vreg.gather [hbm4b:s1+s3], $0x80, v4, vm0, $0xb8;
	[tilespmem:$0x18100] =	vst v63  }
0x1c1: {  	s30 =	simm.s32 $0xC900  }
0x1c2: {  	[tilespmem:s30], [sflag:$0x2] =	stream.indirect_vreg.gather [hbm4b:s4+s3], $0x80, v4, vm1, $0xb8;
	[tilespmem:$0x18100] =	vst v63  }
0x1c3: {  	s9 =	simm.s32 $0xCD00  }
0x1c4: {  	[tilespmem:s9], [sflag:$0x2] =	stream.indirect_vreg.gather [hbm4b:s1+s3], $0x80, v3, vm0, $0xb8;
	[tilespmem:$0x18100] =	vst v63  }
0x1c5: {  	s30 =	simm.s32 $0xD500  }
0x1c6: {  	[tilespmem:s30], [sflag:$0x2] =	stream.indirect_vreg.gather [hbm4b:s4+s3], $0x80, v3, vm1, $0xb8;
	[tilespmem:$0x18100] =	vst v63  }
0x1c7: {  	v3 =	vld [tilespmem:$0x90];
	_ =	sdelay $0x4  }
0x1c8: {  	v57 =	vshrl.u32 v3, $0x3  }
0x1c9: {  	v4 =	vmul.u32 $0x18, v57  }
0x1ca: {  	v3 =	vand.u32 $0x7, v3  }
0x1cb: {  	v3 =	vor.u32 v3, v4  }
0x1cc: {  	v4 =	vperm.xlane v3, v0;
	_ =	sdelay $0x1  }
0x1cd: {  	v4 =	vadd.s32 v1, v4;
	_ =	sdelay $0x1  }
0x1ce: {  	v3 =	vperm.xlane v3, v2;
	_ =	sdelay $0x1  }
0x1cf: {  	s9 =	simm.s32 $0xD900;
	v3 =	vadd.s32 v1, v3  }
0x1d0: {  	[tilespmem:s9], [sflag:$0x2] =	stream.indirect_vreg.gather [hbm4b:s1+s3], $0x80, v4, vm0, $0xb8;
	[tilespmem:$0x18100] =	vst v63  }
0x1d1: {  	s30 =	simm.s32 $0xE100  }
0x1d2: {  	[tilespmem:s30], [sflag:$0x2] =	stream.indirect_vreg.gather [hbm4b:s4+s3], $0x80, v4, vm1, $0xb8;
	[tilespmem:$0x18100] =	vst v63  }
0x1d3: {  	s9 =	simm.s32 $0xE500  }
0x1d4: {  	[tilespmem:s9], [sflag:$0x2] =	stream.indirect_vreg.gather [hbm4b:s1+s3], $0x80, v3, vm0, $0xb8;
	[tilespmem:$0x18100] =	vst v63  }
0x1d5: {  	s30 =	simm.s32 $0xED00  }
0x1d6: {  	[tilespmem:s30], [sflag:$0x2] =	stream.indirect_vreg.gather [hbm4b:s4+s3], $0x80, v3, vm1, $0xb8;
	[tilespmem:$0x18100] =	vst v63  }
0x1d7: {  	v3 =	vld [tilespmem:$0xA0];
	_ =	sdelay $0x4  }
0x1d8: {  	v58 =	vshrl.u32 v3, $0x3  }
0x1d9: {  	v4 =	vmul.u32 $0x18, v58  }
0x1da: {  	v3 =	vand.u32 $0x7, v3  }
0x1db: {  	v3 =	vor.u32 v3, v4  }
0x1dc: {  	v4 =	vperm.xlane v3, v0;
	_ =	sdelay $0x1  }
0x1dd: {  	v4 =	vadd.s32 v1, v4;
	_ =	sdelay $0x1  }
0x1de: {  	v3 =	vperm.xlane v3, v2;
	_ =	sdelay $0x1  }
0x1df: {  	s9 =	simm.s32 $0xF100;
	v3 =	vadd.s32 v1, v3  }
0x1e0: {  	[tilespmem:s9], [sflag:$0x2] =	stream.indirect_vreg.gather [hbm4b:s1+s3], $0x80, v4, vm0, $0xb8;
	[tilespmem:$0x18100] =	vst v63  }
0x1e1: {  	s30 =	simm.s32 $0xF900  }
0x1e2: {  	[tilespmem:s30], [sflag:$0x2] =	stream.indirect_vreg.gather [hbm4b:s4+s3], $0x80, v4, vm1, $0xb8;
	[tilespmem:$0x18100] =	vst v63  }
0x1e3: {  	s9 =	simm.s32 $0xFD00  }
0x1e4: {  	[tilespmem:s9], [sflag:$0x2] =	stream.indirect_vreg.gather [hbm4b:s1+s3], $0x80, v3, vm0, $0xb8;
	[tilespmem:$0x18100] =	vst v63  }
0x1e5: {  	s30 =	simm.s32 $0x10500  }
0x1e6: {  	[tilespmem:s30], [sflag:$0x2] =	stream.indirect_vreg.gather [hbm4b:s4+s3], $0x80, v3, vm1, $0xb8;
	[tilespmem:$0x18100] =	vst v63  }
0x1e7: {  	v3 =	vld [tilespmem:$0xB0];
	_ =	sdelay $0x4  }
0x1e8: {  	v59 =	vshrl.u32 v3, $0x3  }
0x1e9: {  	v4 =	vmul.u32 $0x18, v59  }
0x1ea: {  	v3 =	vand.u32 $0x7, v3  }
0x1eb: {  	v3 =	vor.u32 v3, v4  }
0x1ec: {  	v4 =	vperm.xlane v3, v0;
	_ =	sdelay $0x1  }
0x1ed: {  	v4 =	vadd.s32 v1, v4;
	_ =	sdelay $0x1  }
0x1ee: {  	v3 =	vperm.xlane v3, v2;
	_ =	sdelay $0x1  }
0x1ef: {  	s9 =	simm.s32 $0x10900;
	v3 =	vadd.s32 v1, v3  }
0x1f0: {  	[tilespmem:s9], [sflag:$0x2] =	stream.indirect_vreg.gather [hbm4b:s1+s3], $0x80, v4, vm0, $0xb8;
	[tilespmem:$0x18100] =	vst v63  }
0x1f1: {  	s30 =	simm.s32 $0x11100  }
0x1f2: {  	[tilespmem:s30], [sflag:$0x2] =	stream.indirect_vreg.gather [hbm4b:s4+s3], $0x80, v4, vm1, $0xb8;
	[tilespmem:$0x18100] =	vst v63  }
0x1f3: {  	s9 =	simm.s32 $0x11500  }
0x1f4: {  	[tilespmem:s9], [sflag:$0x2] =	stream.indirect_vreg.gather [hbm4b:s1+s3], $0x80, v3, vm0, $0xb8;
	[tilespmem:$0x18100] =	vst v63  }
0x1f5: {  	s30 =	simm.s32 $0x11D00  }
0x1f6: {  	[tilespmem:s30], [sflag:$0x2] =	stream.indirect_vreg.gather [hbm4b:s4+s3], $0x80, v3, vm1, $0xb8;
	[tilespmem:$0x18100] =	vst v63  }
0x1f7: {  	v3 =	vld [tilespmem:$0xC0];
	_ =	sdelay $0x4  }
0x1f8: {  	v60 =	vshrl.u32 v3, $0x3  }
0x1f9: {  	v4 =	vmul.u32 $0x18, v60  }
0x1fa: {  	v3 =	vand.u32 $0x7, v3  }
0x1fb: {  	v3 =	vor.u32 v3, v4  }
0x1fc: {  	v4 =	vperm.xlane v3, v0;
	_ =	sdelay $0x1  }
0x1fd: {  	v4 =	vadd.s32 v1, v4;
	_ =	sdelay $0x1  }
0x1fe: {  	v3 =	vperm.xlane v3, v2;
	_ =	sdelay $0x1  }
0x1ff: {  	s9 =	simm.s32 $0x12100;
	v3 =	vadd.s32 v1, v3  }
0x200: {  	[tilespmem:s9], [sflag:$0x2] =	stream.indirect_vreg.gather [hbm4b:s1+s3], $0x80, v4, vm0, $0xb8;
	[tilespmem:$0x18100] =	vst v63  }
0x201: {  	s30 =	simm.s32 $0x12900  }
0x202: {  	[tilespmem:s30], [sflag:$0x2] =	stream.indirect_vreg.gather [hbm4b:s4+s3], $0x80, v4, vm1, $0xb8;
	[tilespmem:$0x18100] =	vst v63  }
0x203: {  	s9 =	simm.s32 $0x12D00  }
0x204: {  	[tilespmem:s9], [sflag:$0x2] =	stream.indirect_vreg.gather [hbm4b:s1+s3], $0x80, v3, vm0, $0xb8;
	[tilespmem:$0x18100] =	vst v63  }
0x205: {  	s30 =	simm.s32 $0x13500  }
0x206: {  	[tilespmem:s30], [sflag:$0x2] =	stream.indirect_vreg.gather [hbm4b:s4+s3], $0x80, v3, vm1, $0xb8;
	[tilespmem:$0x18100] =	vst v63  }
0x207: {  	v3 =	vld [tilespmem:$0xD0];
	_ =	sdelay $0x4  }
0x208: {  	v61 =	vshrl.u32 v3, $0x3  }
0x209: {  	v4 =	vmul.u32 $0x18, v61  }
0x20a: {  	v3 =	vand.u32 $0x7, v3  }
0x20b: {  	v3 =	vor.u32 v3, v4  }
0x20c: {  	v4 =	vperm.xlane v3, v0;
	_ =	sdelay $0x1  }
0x20d: {  	v4 =	vadd.s32 v1, v4;
	_ =	sdelay $0x1  }
0x20e: {  	v3 =	vperm.xlane v3, v2;
	_ =	sdelay $0x1  }
0x20f: {  	s9 =	simm.s32 $0x13900;
	v3 =	vadd.s32 v1, v3  }
0x210: {  	[tilespmem:s9], [sflag:$0x2] =	stream.indirect_vreg.gather [hbm4b:s1+s3], $0x80, v4, vm0, $0xb8;
	[tilespmem:$0x18100] =	vst v63  }
0x211: {  	s30 =	simm.s32 $0x14100  }
0x212: {  	[tilespmem:s30], [sflag:$0x2] =	stream.indirect_vreg.gather [hbm4b:s4+s3], $0x80, v4, vm1, $0xb8;
	[tilespmem:$0x18100] =	vst v63  }
0x213: {  	s9 =	simm.s32 $0x14500  }
0x214: {  	[tilespmem:s9], [sflag:$0x2] =	stream.indirect_vreg.gather [hbm4b:s1+s3], $0x80, v3, vm0, $0xb8;
	[tilespmem:$0x18100] =	vst v63  }
0x215: {  	s30 =	simm.s32 $0x14D00  }
0x216: {  	[tilespmem:s30], [sflag:$0x2] =	stream.indirect_vreg.gather [hbm4b:s4+s3], $0x80, v3, vm1, $0xb8;
	[tilespmem:$0x18100] =	vst v63  }
0x217: {  	v3 =	vld [tilespmem:$0xE0];
	_ =	sdelay $0x4  }
0x218: {  	v62 =	vshrl.u32 v3, $0x3  }
0x219: {  	v4 =	vmul.u32 $0x18, v62  }
0x21a: {  	v3 =	vand.u32 $0x7, v3  }
0x21b: {  	v3 =	vor.u32 v3, v4  }
0x21c: {  	v4 =	vperm.xlane v3, v0;
	_ =	sdelay $0x1  }
0x21d: {  	v4 =	vadd.s32 v1, v4;
	_ =	sdelay $0x1  }
0x21e: {  	v3 =	vperm.xlane v3, v2;
	_ =	sdelay $0x1  }
0x21f: {  	s9 =	simm.s32 $0x15100;
	v3 =	vadd.s32 v1, v3  }
0x220: {  	[tilespmem:s9], [sflag:$0x2] =	stream.indirect_vreg.gather [hbm4b:s1+s3], $0x80, v4, vm0, $0xb8;
	[tilespmem:$0x18100] =	vst v63  }
0x221: {  	s30 =	simm.s32 $0x15900  }
0x222: {  	[tilespmem:s30], [sflag:$0x2] =	stream.indirect_vreg.gather [hbm4b:s4+s3], $0x80, v4, vm1, $0xb8;
	[tilespmem:$0x18100] =	vst v63  }
0x223: {  	s9 =	simm.s32 $0x15D00  }
0x224: {  	[tilespmem:s9], [sflag:$0x2] =	stream.indirect_vreg.gather [hbm4b:s1+s3], $0x80, v3, vm0, $0xb8;
	[tilespmem:$0x18100] =	vst v63  }
0x225: {  	s30 =	simm.s32 $0x16500  }
0x226: {  	[tilespmem:s30], [sflag:$0x2] =	stream.indirect_vreg.gather [hbm4b:s4+s3], $0x80, v3, vm1, $0xb8;
	[tilespmem:$0x18100] =	vst v63  }
0x227: {  	v3 =	vld [tilespmem:$0xF0];
	_ =	sdelay $0x4  }
0x228: {  	v63 =	vshrl.u32 v3, $0x3  }
0x229: {  	v4 =	vmul.u32 $0x18, v63  }
0x22a: {  	v3 =	vand.u32 $0x7, v3  }
0x22b: {  	v3 =	vor.u32 v3, v4  }
0x22c: {  	v4 =	vperm.xlane v3, v0;
	_ =	sdelay $0x1  }
0x22d: {  	v4 =	vadd.s32 v1, v4;
	_ =	sdelay $0x1  }
0x22e: {  	v3 =	vperm.xlane v3, v2;
	_ =	sdelay $0x1  }
0x22f: {  	s9 =	simm.s32 $0x16900;
	v3 =	vadd.s32 v1, v3  }
0x230: {  	[tilespmem:s9], [sflag:$0x2] =	stream.indirect_vreg.gather [hbm4b:s1+s3], $0x80, v4, vm0, $0xb8;
	[tilespmem:$0x18100] =	vst v63  }
0x231: {  	s30 =	simm.s32 $0x17100  }
0x232: {  	[tilespmem:s30], [sflag:$0x2] =	stream.indirect_vreg.gather [hbm4b:s4+s3], $0x80, v4, vm1, $0xb8;
	[tilespmem:$0x18100] =	vst v63  }
0x233: {  	s9 =	simm.s32 $0x17500  }
0x234: {  	[tilespmem:s9], [sflag:$0x2] =	stream.indirect_vreg.gather [hbm4b:s1+s3], $0x80, v3, vm0, $0xb8;
	[tilespmem:$0x18100] =	vst v63  }
0x235: {  	s30 =	simm.s32 $0x17D00  }
0x236: {  	[tilespmem:s30], [sflag:$0x2] =	stream.indirect_vreg.gather [hbm4b:s4+s3], $0x80, v3, vm1, $0xb8;
	[tilespmem:$0x18100] =	vst v63  }
0x237: {  	_ =	swait.ge [sflag:s26], $0xC000  }
0x238: {  	[sflag:s26] =	ssyncset.done $0x0  }
0x239: {  	s9 =	simm.s32 $0x100;
	s2 =	rddreg [dreg:$0xa];
	[sflag:s26] =	ssyncadd.s32 $0xFFFF4000  }
0x23a: {  	[hbm4b:s2+s7] =	stream.strided.scatter [tilespmem:s9], [sflag:$0x3], $0xC000, s8, s7, $0x38;
	[tilespmem:$0x18100] =	vst v63  }
0x23b: {  	_ =	swait.ge [sflag:s28], $0xC000  }
0x23c: {  	[sflag:s28] =	ssyncset.done $0x0  }
0x23d: {  	s9 =	rddreg [dreg:$0xb];
	[sflag:s28] =	ssyncadd.s32 $0xFFFF4000  }
0x23e: {  	[hbm4b:s9+s7] =	stream.strided.scatter [tilespmem:s0], [sflag:$0x4], $0xC000, s8, s7, $0x38;
	[tilespmem:$0x18100] =	vst v63  }
0x23f: {  	p0 =	sne.s32 s5, $0x1;
	_ =	swait.ge [sflag:s10], $0xC000  }
.Ltmp0:
0x240: {  	[sflag:s10] =	ssyncset.done $0x0;
	(pc) =	sbr.rel @p0 .LBB2_1-.Ltmp0, $4  }
0x241: {  	[sflag:s10] =	ssyncadd.s32 $0xFFFF4000  }
0x242: {  	_ =	swait.ge [sflag:s29], $0xC000  }
0x243: {  	[sflag:s29] =	ssyncset.done $0x0  }
0x244: {  	s5 =	sadd.s32 $0xFFFFFFFF, s5;
	[sflag:s29] =	ssyncadd.s32 $0xFFFF4000  }
0x245: {  	_ =	sfence.sel $0x180000  }
0x246: {  	[bflag:$0x0] =	sbarrier.arrive $0xFFFF  }
0x247: {  	_ =	strace $0x90000047  }
0x248: {  	s0 =	stileid.u32;
	[bflag:$0x2] =	sbarrier.arrive $0xFFFF  }
0x249: {  	p0 =	sne.s32 s0, $0x0;
	s0 =	rddreg [dreg:$0x3]  }
0x24a: {  	s0 =	sadd.s32 @!p0 $0x100000, s0  }
0x24b: {  	[sflag:s0] =	ssyncadd.tile.s32 @!p0 $0x1;
	_ =	shalt  }
.Lfunc_end2:
_tile_overlayer_lowered:
.L_overlay_start_2:
0x24c: {  	(tag) =	ssettag $0x2  }
0x24d: {  	s0 =	rddreg [dreg:$0x0];
	s2 =	stileid.u32  }
0x24e: {  	s1 =	rddreg [dreg:$0x1];
	p0 =	sne.s32 s2, $0x0  }
0x24f: {  	s3 =	rddreg [dreg:$0x2];
	[bflag:$0x3] =	sbarrier.arrive $0xFFFF;
	s2 =	simm.s32 @!p0 $0x1C05  }
0x250: {  	[timem:s3], [sflag:s2] =	dma.local @!p0 [hbm:s0], s1  }
0x251: {  	s0 =	simm.s32 @!p0 $0x5  }
0x252: {  	_ =	swait.ge @!p0 [sflag:s0], s1  }
0x253: {  	s1 =	ssub.s32 @!p0 $0x0, s1;
	[sflag:s0] =	ssyncset.done @!p0 $0x0  }
0x254: {  	[sflag:s0] =	ssyncadd.s32 @!p0 s1  }
0x255: {  	[bflag:$0x3] =	sbarrier.arrive $0xFFFF  }
0x256: {  	_ =	shalt  }

</sc_bundles>
